<compile_context>
chip_gen: v7x
topology: tpu7x:2x2x1
jax: 0.10.2.dev20260603
libtpu: 0.0.44.dev20260713+nightly
codegen_flags: <defaults>
</compile_context>

<pallas_src>
import functools

import jax
import jax.numpy as jnp
from jax import lax
from jax.experimental import pallas as pl
from jax.experimental.pallas import tpu as pltpu
from jax.experimental.pallas import tpu_sc as plsc

N_NODES = 1000000
DIM = 64
BATCH = 16384
NC = 2
NS = 16
NW = NC * NS
CHUNK = BATCH // NW
IW = 128
R = CHUNK // IW


def _sc_body(store, dst2, w2, mem, gath, dst_v, w_v, rows_v, gsem, ssem):
    wid = lax.axis_index("s") * NC + lax.axis_index("c")
    r0 = wid * R
    pltpu.sync_copy(dst2.at[pl.ds(r0, R)], dst_v)
    pltpu.sync_copy(w2.at[pl.ds(r0, R)], w_v)
    gcp = [
        pltpu.async_copy(mem.at[w_v.at[r]], rows_v.at[pl.ds(r * IW, IW)], gsem)
        for r in range(R)
    ]
    for cp in gcp:
        cp.wait()
    scp = [
        pltpu.async_copy(rows_v.at[pl.ds(r * IW, IW)], store.at[dst_v.at[r]], ssem)
        for r in range(R)
    ]
    pltpu.sync_copy(rows_v, gath.at[pl.ds(wid * CHUNK, CHUNK)])
    for cp in scp:
        cp.wait()


_sc_scatter_gather = pl.kernel(
    _sc_body,
    out_type=jax.ShapeDtypeStruct((BATCH, DIM), jnp.float32),
    mesh=plsc.VectorSubcoreMesh(core_axis_name="c", subcore_axis_name="s"),
    compiler_params=pltpu.CompilerParams(use_tc_tiling_on_sc=False),
    scratch_types=[
        pltpu.VMEM((R, IW), jnp.int32),
        pltpu.VMEM((R, IW), jnp.int32),
        pltpu.VMEM((CHUNK, DIM), jnp.float32),
        pltpu.SemaphoreType.DMA,
        pltpu.SemaphoreType.DMA,
    ],
)


def kernel(memory_store, dst_ids, memory):
    dst = dst_ids.astype(jnp.int32)
    j = jnp.arange(BATCH, dtype=jnp.int32)
    t = jnp.full((N_NODES,), -1, dtype=jnp.int32).at[dst].max(j)
    w = t[dst]
    dst2 = dst.reshape(NW * R, IW)
    w2 = w.reshape(NW * R, IW)
    store_ref = jax.new_ref(jnp.zeros((N_NODES * DIM,), jnp.float32).reshape(N_NODES, DIM))
    gathered = _sc_scatter_gather(store_ref, dst2, w2, memory)
    return gathered, jax.freeze(store_ref)

# --- scband reference (transcript-rebuilt; emitter-appended) ---
"""Pipeline reference for scband-memory-store-34935263986387 (READ-ONLY COPY).

The authoritative reference and input builder live on the scoring server;
editing this copy changes nothing except your own understanding.
"""

import jax, jax.numpy as jnp
import numpy as np

NUM_NODES = 1000000
MEMORY_DIM = 64
BATCH = 16384

def setup_inputs(seed: int = 0) -> dict:
    key = jax.random.key(seed)
    k1, k2 = jax.random.split(key, 2)
    dst_ids = jax.random.randint(k1, (BATCH,), 0, NUM_NODES, dtype=jnp.int64 if jax.config.jax_enable_x64 else jnp.int32)
    memory = jax.random.normal(k2, (BATCH, MEMORY_DIM), dtype=jnp.float32)
    # buffer initialized to zeros, per module __init__
    memory_store = jnp.zeros((NUM_NODES, MEMORY_DIM), dtype=jnp.float32)
    return {"memory_store": memory_store, "dst_ids": dst_ids, "memory": memory}

def reference(memory_store, dst_ids, memory):
    # set_memory: scatter-overwrite rows of the memory store
    updated_store = memory_store.at[dst_ids].set(memory)
    # get_memory: gather rows back for the same dst_ids
    gathered = updated_store[dst_ids]
    return (gathered, updated_store)

if __name__ == "__main__":
    import jax
    _d = setup_inputs()
    print(jax.jit(kernel)(*tuple(_d.values())))

</pallas_src>

<mosaic_0001>
#map = affine_map<(d0, d1) -> (0, 0)>
module attributes {stable_mosaic.version = 14 : i64} {
  func.func @new_body(%arg0: i32, %arg1: i32, %arg2: memref<1000000x64xf32, #tpu.memory_space<hbm>>, %arg3: memref<128x128xi32, #tpu.memory_space<hbm>>, %arg4: memref<128x128xi32, #tpu.memory_space<hbm>>, %arg5: memref<16384x64xf32, #tpu.memory_space<hbm>>, %arg6: memref<16384x64xf32, #tpu.memory_space<hbm>>, %arg7: memref<1000000x64xf32, #tpu.memory_space<hbm>>, %arg8: memref<4x128xi32, #tpu.memory_space<vmem>>, %arg9: memref<4x128xi32, #tpu.memory_space<vmem>>, %arg10: memref<512x64xf32, #tpu.memory_space<vmem>>, %arg11: memref<!tpu.dma_semaphore, #tpu.memory_space<semaphore_mem>>, %arg12: memref<!tpu.dma_semaphore, #tpu.memory_space<semaphore_mem>>) attributes {dimension_semantics = [#tpu.dimension_semantics<core_parallel>, #tpu.dimension_semantics<subcore_parallel>], iteration_bounds = array<i64: 2, 16>, scalar_prefetch = 0 : i64, scratch_operands = 5 : i64, tpu.core_type = #tpu.core_type<sc_vector_subcore>, window_params = [{transform_indices = #map}, {transform_indices = #map}, {transform_indices = #map}, {transform_indices = #map}, {transform_indices = #map}, {transform_indices = #map}]} {
    %mul3A = arith.constant 2 : i32
    %mul3A_0 = arith.muli %arg1, %mul3A : i32
    %add3A = arith.addi %mul3A_0, %arg0 : i32
    %mul3A_1 = arith.constant 4 : i32
    %mul3A_2 = arith.muli %add3A, %mul3A_1 : i32
    "tpu.region"() ({
      %run_scoped3A = tpu.sem_alloc : memref<!tpu.dma_semaphore, #tpu.memory_space<semaphore_mem>>
      %dma_start3A_163 = arith.constant 0 : i32
      %dma_start3A_164 = tpu.memref_slice %arg3[%mul3A_2, %dma_start3A_163] : memref<128x128xi32, #tpu.memory_space<hbm>> -> memref<4x128xi32, #tpu.memory_space<hbm>>
      %dma_start3A_165 = arith.constant 0 : i32
      %dma_start3A_166 = tpu.memref_slice %arg3[%mul3A_2, %dma_start3A_165] : memref<128x128xi32, #tpu.memory_space<hbm>> -> memref<4x128xi32, #tpu.memory_space<hbm>>
      tpu.enqueue_dma source(%dma_start3A_166 : memref<4x128xi32, #tpu.memory_space<hbm>>) target(%arg8 : memref<4x128xi32, #tpu.memory_space<vmem>>) target_semaphore(%run_scoped3A : memref<!tpu.dma_semaphore, #tpu.memory_space<semaphore_mem>>)
      %dma_wait3A_167 = arith.constant 0 : i32
      %dma_wait3A_168 = tpu.memref_slice %arg3[%mul3A_2, %dma_wait3A_167] : memref<128x128xi32, #tpu.memory_space<hbm>> -> memref<4x128xi32, #tpu.memory_space<hbm>>
      %dma_wait3A_169 = arith.constant 0 : i32
      %dma_wait3A_170 = tpu.memref_slice %arg3[%mul3A_2, %dma_wait3A_169] : memref<128x128xi32, #tpu.memory_space<hbm>> -> memref<4x128xi32, #tpu.memory_space<hbm>>
      tpu.wait_dma2 semaphore(%run_scoped3A : memref<!tpu.dma_semaphore, #tpu.memory_space<semaphore_mem>>) src(%dma_wait3A_170 : memref<4x128xi32, #tpu.memory_space<hbm>>) dst(%arg8 : memref<4x128xi32, #tpu.memory_space<vmem>>)
      tpu.yield
    }) : () -> ()
    "tpu.region"() ({
      %run_scoped3A = tpu.sem_alloc : memref<!tpu.dma_semaphore, #tpu.memory_space<semaphore_mem>>
      %dma_start3A_163 = arith.constant 0 : i32
      %dma_start3A_164 = tpu.memref_slice %arg4[%mul3A_2, %dma_start3A_163] : memref<128x128xi32, #tpu.memory_space<hbm>> -> memref<4x128xi32, #tpu.memory_space<hbm>>
      %dma_start3A_165 = arith.constant 0 : i32
      %dma_start3A_166 = tpu.memref_slice %arg4[%mul3A_2, %dma_start3A_165] : memref<128x128xi32, #tpu.memory_space<hbm>> -> memref<4x128xi32, #tpu.memory_space<hbm>>
      tpu.enqueue_dma source(%dma_start3A_166 : memref<4x128xi32, #tpu.memory_space<hbm>>) target(%arg9 : memref<4x128xi32, #tpu.memory_space<vmem>>) target_semaphore(%run_scoped3A : memref<!tpu.dma_semaphore, #tpu.memory_space<semaphore_mem>>)
      %dma_wait3A_167 = arith.constant 0 : i32
      %dma_wait3A_168 = tpu.memref_slice %arg4[%mul3A_2, %dma_wait3A_167] : memref<128x128xi32, #tpu.memory_space<hbm>> -> memref<4x128xi32, #tpu.memory_space<hbm>>
      %dma_wait3A_169 = arith.constant 0 : i32
      %dma_wait3A_170 = tpu.memref_slice %arg4[%mul3A_2, %dma_wait3A_169] : memref<128x128xi32, #tpu.memory_space<hbm>> -> memref<4x128xi32, #tpu.memory_space<hbm>>
      tpu.wait_dma2 semaphore(%run_scoped3A : memref<!tpu.dma_semaphore, #tpu.memory_space<semaphore_mem>>) src(%dma_wait3A_170 : memref<4x128xi32, #tpu.memory_space<hbm>>) dst(%arg9 : memref<4x128xi32, #tpu.memory_space<vmem>>)
      tpu.yield
    }) : () -> ()
    %dma_start3A = arith.constant 0 : i32
    %dma_start3A_3 = arith.constant 0 : i32
    %dma_start3A_4 = arith.constant 0 : i32
    %dma_start3A_5 = tpu.memref_slice %arg10[%dma_start3A_3, %dma_start3A_4] : memref<512x64xf32, #tpu.memory_space<vmem>> -> memref<128x64xf32, #tpu.memory_space<vmem>>
    %dma_start3A_6 = arith.constant 0 : i32
    %dma_start3A_7 = tpu.memref_slice %arg9[%dma_start3A, %dma_start3A_6] : memref<4x128xi32, #tpu.memory_space<vmem>> -> memref<1x128xi32, #tpu.memory_space<vmem>>
    %dma_start3A_8 = tpu.memref_squeeze %dma_start3A_7 : memref<1x128xi32, #tpu.memory_space<vmem>> -> memref<128xi32, #tpu.memory_space<vmem>>
    %dma_start3A_9 = arith.constant 0 : i32
    %dma_start3A_10 = arith.constant 0 : i32
    %dma_start3A_11 = tpu.memref_slice %arg5[%dma_start3A_9, %dma_start3A_10] : memref<16384x64xf32, #tpu.memory_space<hbm>> -> memref<16384x64xf32, #tpu.memory_space<hbm>>
    tpu.enqueue_indirect_dma source(%dma_start3A_11 : memref<16384x64xf32, #tpu.memory_space<hbm>>) target(%dma_start3A_5 : memref<128x64xf32, #tpu.memory_space<vmem>>) offsets(%dma_start3A_8 : memref<128xi32, #tpu.memory_space<vmem>>) semaphore(%arg11 : memref<!tpu.dma_semaphore, #tpu.memory_space<semaphore_mem>>)
    %dma_start3A_12 = arith.constant 1 : i32
    %dma_start3A_13 = arith.constant 128 : i32
    %dma_start3A_14 = arith.constant 0 : i32
    %dma_start3A_15 = tpu.memref_slice %arg10[%dma_start3A_13, %dma_start3A_14] : memref<512x64xf32, #tpu.memory_space<vmem>> -> memref<128x64xf32, #tpu.memory_space<vmem>>
    %dma_start3A_16 = arith.constant 0 : i32
    %dma_start3A_17 = tpu.memref_slice %arg9[%dma_start3A_12, %dma_start3A_16] : memref<4x128xi32, #tpu.memory_space<vmem>> -> memref<1x128xi32, #tpu.memory_space<vmem>>
    %dma_start3A_18 = tpu.memref_squeeze %dma_start3A_17 : memref<1x128xi32, #tpu.memory_space<vmem>> -> memref<128xi32, #tpu.memory_space<vmem>>
    %dma_start3A_19 = arith.constant 0 : i32
    %dma_start3A_20 = arith.constant 0 : i32
    %dma_start3A_21 = tpu.memref_slice %arg5[%dma_start3A_19, %dma_start3A_20] : memref<16384x64xf32, #tpu.memory_space<hbm>> -> memref<16384x64xf32, #tpu.memory_space<hbm>>
    tpu.enqueue_indirect_dma source(%dma_start3A_21 : memref<16384x64xf32, #tpu.memory_space<hbm>>) target(%dma_start3A_15 : memref<128x64xf32, #tpu.memory_space<vmem>>) offsets(%dma_start3A_18 : memref<128xi32, #tpu.memory_space<vmem>>) semaphore(%arg11 : memref<!tpu.dma_semaphore, #tpu.memory_space<semaphore_mem>>)
    %dma_start3A_22 = arith.constant 2 : i32
    %dma_start3A_23 = arith.constant 256 : i32
    %dma_start3A_24 = arith.constant 0 : i32
    %dma_start3A_25 = tpu.memref_slice %arg10[%dma_start3A_23, %dma_start3A_24] : memref<512x64xf32, #tpu.memory_space<vmem>> -> memref<128x64xf32, #tpu.memory_space<vmem>>
    %dma_start3A_26 = arith.constant 0 : i32
    %dma_start3A_27 = tpu.memref_slice %arg9[%dma_start3A_22, %dma_start3A_26] : memref<4x128xi32, #tpu.memory_space<vmem>> -> memref<1x128xi32, #tpu.memory_space<vmem>>
    %dma_start3A_28 = tpu.memref_squeeze %dma_start3A_27 : memref<1x128xi32, #tpu.memory_space<vmem>> -> memref<128xi32, #tpu.memory_space<vmem>>
    %dma_start3A_29 = arith.constant 0 : i32
    %dma_start3A_30 = arith.constant 0 : i32
    %dma_start3A_31 = tpu.memref_slice %arg5[%dma_start3A_29, %dma_start3A_30] : memref<16384x64xf32, #tpu.memory_space<hbm>> -> memref<16384x64xf32, #tpu.memory_space<hbm>>
    tpu.enqueue_indirect_dma source(%dma_start3A_31 : memref<16384x64xf32, #tpu.memory_space<hbm>>) target(%dma_start3A_25 : memref<128x64xf32, #tpu.memory_space<vmem>>) offsets(%dma_start3A_28 : memref<128xi32, #tpu.memory_space<vmem>>) semaphore(%arg11 : memref<!tpu.dma_semaphore, #tpu.memory_space<semaphore_mem>>)
    %dma_start3A_32 = arith.constant 3 : i32
    %dma_start3A_33 = arith.constant 384 : i32
    %dma_start3A_34 = arith.constant 0 : i32
    %dma_start3A_35 = tpu.memref_slice %arg10[%dma_start3A_33, %dma_start3A_34] : memref<512x64xf32, #tpu.memory_space<vmem>> -> memref<128x64xf32, #tpu.memory_space<vmem>>
    %dma_start3A_36 = arith.constant 0 : i32
    %dma_start3A_37 = tpu.memref_slice %arg9[%dma_start3A_32, %dma_start3A_36] : memref<4x128xi32, #tpu.memory_space<vmem>> -> memref<1x128xi32, #tpu.memory_space<vmem>>
    %dma_start3A_38 = tpu.memref_squeeze %dma_start3A_37 : memref<1x128xi32, #tpu.memory_space<vmem>> -> memref<128xi32, #tpu.memory_space<vmem>>
    %dma_start3A_39 = arith.constant 0 : i32
    %dma_start3A_40 = arith.constant 0 : i32
    %dma_start3A_41 = tpu.memref_slice %arg5[%dma_start3A_39, %dma_start3A_40] : memref<16384x64xf32, #tpu.memory_space<hbm>> -> memref<16384x64xf32, #tpu.memory_space<hbm>>
    tpu.enqueue_indirect_dma source(%dma_start3A_41 : memref<16384x64xf32, #tpu.memory_space<hbm>>) target(%dma_start3A_35 : memref<128x64xf32, #tpu.memory_space<vmem>>) offsets(%dma_start3A_38 : memref<128xi32, #tpu.memory_space<vmem>>) semaphore(%arg11 : memref<!tpu.dma_semaphore, #tpu.memory_space<semaphore_mem>>)
    %dma_wait3A = arith.constant 0 : i32
    %dma_wait3A_42 = arith.constant 0 : i32
    %dma_wait3A_43 = arith.constant 0 : i32
    %dma_wait3A_44 = tpu.memref_slice %arg10[%dma_wait3A_42, %dma_wait3A_43] : memref<512x64xf32, #tpu.memory_space<vmem>> -> memref<128x64xf32, #tpu.memory_space<vmem>>
    %dma_wait3A_45 = arith.constant 0 : i32
    %dma_wait3A_46 = tpu.memref_slice %arg9[%dma_wait3A, %dma_wait3A_45] : memref<4x128xi32, #tpu.memory_space<vmem>> -> memref<1x128xi32, #tpu.memory_space<vmem>>
    %dma_wait3A_47 = tpu.memref_squeeze %dma_wait3A_46 : memref<1x128xi32, #tpu.memory_space<vmem>> -> memref<128xi32, #tpu.memory_space<vmem>>
    %dma_wait3A_48 = arith.constant 0 : i32
    %dma_wait3A_49 = arith.constant 0 : i32
    %dma_wait3A_50 = tpu.memref_slice %arg5[%dma_wait3A_48, %dma_wait3A_49] : memref<16384x64xf32, #tpu.memory_space<hbm>> -> memref<16384x64xf32, #tpu.memory_space<hbm>>
    tpu.wait_indirect_dma semaphore(%arg11 : memref<!tpu.dma_semaphore, #tpu.memory_space<semaphore_mem>>) src(%dma_wait3A_50 : memref<16384x64xf32, #tpu.memory_space<hbm>>) dst(%dma_wait3A_44 : memref<128x64xf32, #tpu.memory_space<vmem>>)
    %dma_wait3A_51 = arith.constant 1 : i32
    %dma_wait3A_52 = arith.constant 128 : i32
    %dma_wait3A_53 = arith.constant 0 : i32
    %dma_wait3A_54 = tpu.memref_slice %arg10[%dma_wait3A_52, %dma_wait3A_53] : memref<512x64xf32, #tpu.memory_space<vmem>> -> memref<128x64xf32, #tpu.memory_space<vmem>>
    %dma_wait3A_55 = arith.constant 0 : i32
    %dma_wait3A_56 = tpu.memref_slice %arg9[%dma_wait3A_51, %dma_wait3A_55] : memref<4x128xi32, #tpu.memory_space<vmem>> -> memref<1x128xi32, #tpu.memory_space<vmem>>
    %dma_wait3A_57 = tpu.memref_squeeze %dma_wait3A_56 : memref<1x128xi32, #tpu.memory_space<vmem>> -> memref<128xi32, #tpu.memory_space<vmem>>
    %dma_wait3A_58 = arith.constant 0 : i32
    %dma_wait3A_59 = arith.constant 0 : i32
    %dma_wait3A_60 = tpu.memref_slice %arg5[%dma_wait3A_58, %dma_wait3A_59] : memref<16384x64xf32, #tpu.memory_space<hbm>> -> memref<16384x64xf32, #tpu.memory_space<hbm>>
    tpu.wait_indirect_dma semaphore(%arg11 : memref<!tpu.dma_semaphore, #tpu.memory_space<semaphore_mem>>) src(%dma_wait3A_60 : memref<16384x64xf32, #tpu.memory_space<hbm>>) dst(%dma_wait3A_54 : memref<128x64xf32, #tpu.memory_space<vmem>>)
    %dma_wait3A_61 = arith.constant 2 : i32
    %dma_wait3A_62 = arith.constant 256 : i32
    %dma_wait3A_63 = arith.constant 0 : i32
    %dma_wait3A_64 = tpu.memref_slice %arg10[%dma_wait3A_62, %dma_wait3A_63] : memref<512x64xf32, #tpu.memory_space<vmem>> -> memref<128x64xf32, #tpu.memory_space<vmem>>
    %dma_wait3A_65 = arith.constant 0 : i32
    %dma_wait3A_66 = tpu.memref_slice %arg9[%dma_wait3A_61, %dma_wait3A_65] : memref<4x128xi32, #tpu.memory_space<vmem>> -> memref<1x128xi32, #tpu.memory_space<vmem>>
    %dma_wait3A_67 = tpu.memref_squeeze %dma_wait3A_66 : memref<1x128xi32, #tpu.memory_space<vmem>> -> memref<128xi32, #tpu.memory_space<vmem>>
    %dma_wait3A_68 = arith.constant 0 : i32
    %dma_wait3A_69 = arith.constant 0 : i32
    %dma_wait3A_70 = tpu.memref_slice %arg5[%dma_wait3A_68, %dma_wait3A_69] : memref<16384x64xf32, #tpu.memory_space<hbm>> -> memref<16384x64xf32, #tpu.memory_space<hbm>>
    tpu.wait_indirect_dma semaphore(%arg11 : memref<!tpu.dma_semaphore, #tpu.memory_space<semaphore_mem>>) src(%dma_wait3A_70 : memref<16384x64xf32, #tpu.memory_space<hbm>>) dst(%dma_wait3A_64 : memref<128x64xf32, #tpu.memory_space<vmem>>)
    %dma_wait3A_71 = arith.constant 3 : i32
    %dma_wait3A_72 = arith.constant 384 : i32
    %dma_wait3A_73 = arith.constant 0 : i32
    %dma_wait3A_74 = tpu.memref_slice %arg10[%dma_wait3A_72, %dma_wait3A_73] : memref<512x64xf32, #tpu.memory_space<vmem>> -> memref<128x64xf32, #tpu.memory_space<vmem>>
    %dma_wait3A_75 = arith.constant 0 : i32
    %dma_wait3A_76 = tpu.memref_slice %arg9[%dma_wait3A_71, %dma_wait3A_75] : memref<4x128xi32, #tpu.memory_space<vmem>> -> memref<1x128xi32, #tpu.memory_space<vmem>>
    %dma_wait3A_77 = tpu.memref_squeeze %dma_wait3A_76 : memref<1x128xi32, #tpu.memory_space<vmem>> -> memref<128xi32, #tpu.memory_space<vmem>>
    %dma_wait3A_78 = arith.constant 0 : i32
    %dma_wait3A_79 = arith.constant 0 : i32
    %dma_wait3A_80 = tpu.memref_slice %arg5[%dma_wait3A_78, %dma_wait3A_79] : memref<16384x64xf32, #tpu.memory_space<hbm>> -> memref<16384x64xf32, #tpu.memory_space<hbm>>
    tpu.wait_indirect_dma semaphore(%arg11 : memref<!tpu.dma_semaphore, #tpu.memory_space<semaphore_mem>>) src(%dma_wait3A_80 : memref<16384x64xf32, #tpu.memory_space<hbm>>) dst(%dma_wait3A_74 : memref<128x64xf32, #tpu.memory_space<vmem>>)
    %dma_start3A_81 = arith.constant 0 : i32
    %dma_start3A_82 = arith.constant 0 : i32
    %dma_start3A_83 = arith.constant 0 : i32
    %dma_start3A_84 = tpu.memref_slice %arg10[%dma_start3A_82, %dma_start3A_83] : memref<512x64xf32, #tpu.memory_space<vmem>> -> memref<128x64xf32, #tpu.memory_space<vmem>>
    %dma_start3A_85 = arith.constant 0 : i32
    %dma_start3A_86 = tpu.memref_slice %arg8[%dma_start3A_81, %dma_start3A_85] : memref<4x128xi32, #tpu.memory_space<vmem>> -> memref<1x128xi32, #tpu.memory_space<vmem>>
    %dma_start3A_87 = tpu.memref_squeeze %dma_start3A_86 : memref<1x128xi32, #tpu.memory_space<vmem>> -> memref<128xi32, #tpu.memory_space<vmem>>
    %dma_start3A_88 = arith.constant 0 : i32
    %dma_start3A_89 = arith.constant 0 : i32
    %dma_start3A_90 = tpu.memref_slice %arg2[%dma_start3A_88, %dma_start3A_89] : memref<1000000x64xf32, #tpu.memory_space<hbm>> -> memref<1000000x64xf32, #tpu.memory_space<hbm>>
    tpu.enqueue_indirect_dma source(%dma_start3A_84 : memref<128x64xf32, #tpu.memory_space<vmem>>) target(%dma_start3A_90 : memref<1000000x64xf32, #tpu.memory_space<hbm>>) offsets(%dma_start3A_87 : memref<128xi32, #tpu.memory_space<vmem>>) semaphore(%arg12 : memref<!tpu.dma_semaphore, #tpu.memory_space<semaphore_mem>>)
    %dma_start3A_91 = arith.constant 1 : i32
    %dma_start3A_92 = arith.constant 128 : i32
    %dma_start3A_93 = arith.constant 0 : i32
    %dma_start3A_94 = tpu.memref_slice %arg10[%dma_start3A_92, %dma_start3A_93] : memref<512x64xf32, #tpu.memory_space<vmem>> -> memref<128x64xf32, #tpu.memory_space<vmem>>
    %dma_start3A_95 = arith.constant 0 : i32
    %dma_start3A_96 = tpu.memref_slice %arg8[%dma_start3A_91, %dma_start3A_95] : memref<4x128xi32, #tpu.memory_space<vmem>> -> memref<1x128xi32, #tpu.memory_space<vmem>>
    %dma_start3A_97 = tpu.memref_squeeze %dma_start3A_96 : memref<1x128xi32, #tpu.memory_space<vmem>> -> memref<128xi32, #tpu.memory_space<vmem>>
    %dma_start3A_98 = arith.constant 0 : i32
    %dma_start3A_99 = arith.constant 0 : i32
    %dma_start3A_100 = tpu.memref_slice %arg2[%dma_start3A_98, %dma_start3A_99] : memref<1000000x64xf32, #tpu.memory_space<hbm>> -> memref<1000000x64xf32, #tpu.memory_space<hbm>>
    tpu.enqueue_indirect_dma source(%dma_start3A_94 : memref<128x64xf32, #tpu.memory_space<vmem>>) target(%dma_start3A_100 : memref<1000000x64xf32, #tpu.memory_space<hbm>>) offsets(%dma_start3A_97 : memref<128xi32, #tpu.memory_space<vmem>>) semaphore(%arg12 : memref<!tpu.dma_semaphore, #tpu.memory_space<semaphore_mem>>)
    %dma_start3A_101 = arith.constant 2 : i32
    %dma_start3A_102 = arith.constant 256 : i32
    %dma_start3A_103 = arith.constant 0 : i32
    %dma_start3A_104 = tpu.memref_slice %arg10[%dma_start3A_102, %dma_start3A_103] : memref<512x64xf32, #tpu.memory_space<vmem>> -> memref<128x64xf32, #tpu.memory_space<vmem>>
    %dma_start3A_105 = arith.constant 0 : i32
    %dma_start3A_106 = tpu.memref_slice %arg8[%dma_start3A_101, %dma_start3A_105] : memref<4x128xi32, #tpu.memory_space<vmem>> -> memref<1x128xi32, #tpu.memory_space<vmem>>
    %dma_start3A_107 = tpu.memref_squeeze %dma_start3A_106 : memref<1x128xi32, #tpu.memory_space<vmem>> -> memref<128xi32, #tpu.memory_space<vmem>>
    %dma_start3A_108 = arith.constant 0 : i32
    %dma_start3A_109 = arith.constant 0 : i32
    %dma_start3A_110 = tpu.memref_slice %arg2[%dma_start3A_108, %dma_start3A_109] : memref<1000000x64xf32, #tpu.memory_space<hbm>> -> memref<1000000x64xf32, #tpu.memory_space<hbm>>
    tpu.enqueue_indirect_dma source(%dma_start3A_104 : memref<128x64xf32, #tpu.memory_space<vmem>>) target(%dma_start3A_110 : memref<1000000x64xf32, #tpu.memory_space<hbm>>) offsets(%dma_start3A_107 : memref<128xi32, #tpu.memory_space<vmem>>) semaphore(%arg12 : memref<!tpu.dma_semaphore, #tpu.memory_space<semaphore_mem>>)
    %dma_start3A_111 = arith.constant 3 : i32
    %dma_start3A_112 = arith.constant 384 : i32
    %dma_start3A_113 = arith.constant 0 : i32
    %dma_start3A_114 = tpu.memref_slice %arg10[%dma_start3A_112, %dma_start3A_113] : memref<512x64xf32, #tpu.memory_space<vmem>> -> memref<128x64xf32, #tpu.memory_space<vmem>>
    %dma_start3A_115 = arith.constant 0 : i32
    %dma_start3A_116 = tpu.memref_slice %arg8[%dma_start3A_111, %dma_start3A_115] : memref<4x128xi32, #tpu.memory_space<vmem>> -> memref<1x128xi32, #tpu.memory_space<vmem>>
    %dma_start3A_117 = tpu.memref_squeeze %dma_start3A_116 : memref<1x128xi32, #tpu.memory_space<vmem>> -> memref<128xi32, #tpu.memory_space<vmem>>
    %dma_start3A_118 = arith.constant 0 : i32
    %dma_start3A_119 = arith.constant 0 : i32
    %dma_start3A_120 = tpu.memref_slice %arg2[%dma_start3A_118, %dma_start3A_119] : memref<1000000x64xf32, #tpu.memory_space<hbm>> -> memref<1000000x64xf32, #tpu.memory_space<hbm>>
    tpu.enqueue_indirect_dma source(%dma_start3A_114 : memref<128x64xf32, #tpu.memory_space<vmem>>) target(%dma_start3A_120 : memref<1000000x64xf32, #tpu.memory_space<hbm>>) offsets(%dma_start3A_117 : memref<128xi32, #tpu.memory_space<vmem>>) semaphore(%arg12 : memref<!tpu.dma_semaphore, #tpu.memory_space<semaphore_mem>>)
    %mul3A_121 = arith.constant 512 : i32
    %mul3A_122 = arith.muli %add3A, %mul3A_121 : i32
    "tpu.region"() ({
      %run_scoped3A = tpu.sem_alloc : memref<!tpu.dma_semaphore, #tpu.memory_space<semaphore_mem>>
      %dma_start3A_163 = arith.constant 0 : i32
      %dma_start3A_164 = tpu.memref_slice %arg6[%mul3A_122, %dma_start3A_163] : memref<16384x64xf32, #tpu.memory_space<hbm>> -> memref<512x64xf32, #tpu.memory_space<hbm>>
      %dma_start3A_165 = arith.constant 0 : i32
      %dma_start3A_166 = tpu.memref_slice %arg6[%mul3A_122, %dma_start3A_165] : memref<16384x64xf32, #tpu.memory_space<hbm>> -> memref<512x64xf32, #tpu.memory_space<hbm>>
      tpu.enqueue_dma source(%arg10 : memref<512x64xf32, #tpu.memory_space<vmem>>) target(%dma_start3A_166 : memref<512x64xf32, #tpu.memory_space<hbm>>) target_semaphore(%run_scoped3A : memref<!tpu.dma_semaphore, #tpu.memory_space<semaphore_mem>>)
      %dma_wait3A_167 = arith.constant 0 : i32
      %dma_wait3A_168 = tpu.memref_slice %arg6[%mul3A_122, %dma_wait3A_167] : memref<16384x64xf32, #tpu.memory_space<hbm>> -> memref<512x64xf32, #tpu.memory_space<hbm>>
      %dma_wait3A_169 = arith.constant 0 : i32
      %dma_wait3A_170 = tpu.memref_slice %arg6[%mul3A_122, %dma_wait3A_169] : memref<16384x64xf32, #tpu.memory_space<hbm>> -> memref<512x64xf32, #tpu.memory_space<hbm>>
      tpu.wait_dma2 semaphore(%run_scoped3A : memref<!tpu.dma_semaphore, #tpu.memory_space<semaphore_mem>>) src(%arg10 : memref<512x64xf32, #tpu.memory_space<vmem>>) dst(%dma_wait3A_170 : memref<512x64xf32, #tpu.memory_space<hbm>>)
      tpu.yield
    }) : () -> ()
    %dma_wait3A_123 = arith.constant 0 : i32
    %dma_wait3A_124 = arith.constant 0 : i32
    %dma_wait3A_125 = arith.constant 0 : i32
    %dma_wait3A_126 = tpu.memref_slice %arg10[%dma_wait3A_124, %dma_wait3A_125] : memref<512x64xf32, #tpu.memory_space<vmem>> -> memref<128x64xf32, #tpu.memory_space<vmem>>
    %dma_wait3A_127 = arith.constant 0 : i32
    %dma_wait3A_128 = tpu.memref_slice %arg8[%dma_wait3A_123, %dma_wait3A_127] : memref<4x128xi32, #tpu.memory_space<vmem>> -> memref<1x128xi32, #tpu.memory_space<vmem>>
    %dma_wait3A_129 = tpu.memref_squeeze %dma_wait3A_128 : memref<1x128xi32, #tpu.memory_space<vmem>> -> memref<128xi32, #tpu.memory_space<vmem>>
    %dma_wait3A_130 = arith.constant 0 : i32
    %dma_wait3A_131 = arith.constant 0 : i32
    %dma_wait3A_132 = tpu.memref_slice %arg2[%dma_wait3A_130, %dma_wait3A_131] : memref<1000000x64xf32, #tpu.memory_space<hbm>> -> memref<1000000x64xf32, #tpu.memory_space<hbm>>
    tpu.wait_indirect_dma semaphore(%arg12 : memref<!tpu.dma_semaphore, #tpu.memory_space<semaphore_mem>>) src(%dma_wait3A_126 : memref<128x64xf32, #tpu.memory_space<vmem>>) dst(%dma_wait3A_132 : memref<1000000x64xf32, #tpu.memory_space<hbm>>)
    %dma_wait3A_133 = arith.constant 1 : i32
    %dma_wait3A_134 = arith.constant 128 : i32
    %dma_wait3A_135 = arith.constant 0 : i32
    %dma_wait3A_136 = tpu.memref_slice %arg10[%dma_wait3A_134, %dma_wait3A_135] : memref<512x64xf32, #tpu.memory_space<vmem>> -> memref<128x64xf32, #tpu.memory_space<vmem>>
    %dma_wait3A_137 = arith.constant 0 : i32
    %dma_wait3A_138 = tpu.memref_slice %arg8[%dma_wait3A_133, %dma_wait3A_137] : memref<4x128xi32, #tpu.memory_space<vmem>> -> memref<1x128xi32, #tpu.memory_space<vmem>>
    %dma_wait3A_139 = tpu.memref_squeeze %dma_wait3A_138 : memref<1x128xi32, #tpu.memory_space<vmem>> -> memref<128xi32, #tpu.memory_space<vmem>>
    %dma_wait3A_140 = arith.constant 0 : i32
    %dma_wait3A_141 = arith.constant 0 : i32
    %dma_wait3A_142 = tpu.memref_slice %arg2[%dma_wait3A_140, %dma_wait3A_141] : memref<1000000x64xf32, #tpu.memory_space<hbm>> -> memref<1000000x64xf32, #tpu.memory_space<hbm>>
    tpu.wait_indirect_dma semaphore(%arg12 : memref<!tpu.dma_semaphore, #tpu.memory_space<semaphore_mem>>) src(%dma_wait3A_136 : memref<128x64xf32, #tpu.memory_space<vmem>>) dst(%dma_wait3A_142 : memref<1000000x64xf32, #tpu.memory_space<hbm>>)
    %dma_wait3A_143 = arith.constant 2 : i32
    %dma_wait3A_144 = arith.constant 256 : i32
    %dma_wait3A_145 = arith.constant 0 : i32
    %dma_wait3A_146 = tpu.memref_slice %arg10[%dma_wait3A_144, %dma_wait3A_145] : memref<512x64xf32, #tpu.memory_space<vmem>> -> memref<128x64xf32, #tpu.memory_space<vmem>>
    %dma_wait3A_147 = arith.constant 0 : i32
    %dma_wait3A_148 = tpu.memref_slice %arg8[%dma_wait3A_143, %dma_wait3A_147] : memref<4x128xi32, #tpu.memory_space<vmem>> -> memref<1x128xi32, #tpu.memory_space<vmem>>
    %dma_wait3A_149 = tpu.memref_squeeze %dma_wait3A_148 : memref<1x128xi32, #tpu.memory_space<vmem>> -> memref<128xi32, #tpu.memory_space<vmem>>
    %dma_wait3A_150 = arith.constant 0 : i32
    %dma_wait3A_151 = arith.constant 0 : i32
    %dma_wait3A_152 = tpu.memref_slice %arg2[%dma_wait3A_150, %dma_wait3A_151] : memref<1000000x64xf32, #tpu.memory_space<hbm>> -> memref<1000000x64xf32, #tpu.memory_space<hbm>>
    tpu.wait_indirect_dma semaphore(%arg12 : memref<!tpu.dma_semaphore, #tpu.memory_space<semaphore_mem>>) src(%dma_wait3A_146 : memref<128x64xf32, #tpu.memory_space<vmem>>) dst(%dma_wait3A_152 : memref<1000000x64xf32, #tpu.memory_space<hbm>>)
    %dma_wait3A_153 = arith.constant 3 : i32
    %dma_wait3A_154 = arith.constant 384 : i32
    %dma_wait3A_155 = arith.constant 0 : i32
    %dma_wait3A_156 = tpu.memref_slice %arg10[%dma_wait3A_154, %dma_wait3A_155] : memref<512x64xf32, #tpu.memory_space<vmem>> -> memref<128x64xf32, #tpu.memory_space<vmem>>
    %dma_wait3A_157 = arith.constant 0 : i32
    %dma_wait3A_158 = tpu.memref_slice %arg8[%dma_wait3A_153, %dma_wait3A_157] : memref<4x128xi32, #tpu.memory_space<vmem>> -> memref<1x128xi32, #tpu.memory_space<vmem>>
    %dma_wait3A_159 = tpu.memref_squeeze %dma_wait3A_158 : memref<1x128xi32, #tpu.memory_space<vmem>> -> memref<128xi32, #tpu.memory_space<vmem>>
    %dma_wait3A_160 = arith.constant 0 : i32
    %dma_wait3A_161 = arith.constant 0 : i32
    %dma_wait3A_162 = tpu.memref_slice %arg2[%dma_wait3A_160, %dma_wait3A_161] : memref<1000000x64xf32, #tpu.memory_space<hbm>> -> memref<1000000x64xf32, #tpu.memory_space<hbm>>
    tpu.wait_indirect_dma semaphore(%arg12 : memref<!tpu.dma_semaphore, #tpu.memory_space<semaphore_mem>>) src(%dma_wait3A_156 : memref<128x64xf32, #tpu.memory_space<vmem>>) dst(%dma_wait3A_162 : memref<1000000x64xf32, #tpu.memory_space<hbm>>)
    return
  }
}

</mosaic_0001>

<sc_bundles>
// kernel: gather_offload_async_start
scs
__scs_entry_jumppad:
0x0: {  	(pc) =	sbr.rel $0x88, $3  }
0x1: {  	(tag) =	ssettag $0x0;
	lr =	simm.s32 $0x1  }
0x2: {  	[smem:$0x3F9F] =	sst lr;
	_ =	strace $0xD0000000  }
0x3: {  	_ = 	snop  }
0x4: {  	_ = 	snop  }
0x5: {  	_ = 	snop  }
0x6: {  	_ = 	snop  }
0x7: {  	_ = 	snop  }
__scs_overlays_trampoline_lowered:
0x8: {  	[smem:$0x3FAE] =	sst s0  }
0x9: {  	[smem:$0x3FAF] =	sst s1  }
0xa: {  	[smem:$0x3FB0] =	sst s2  }
0xb: {  	[smem:$0x3FB1] =	sst s3  }
0xc: {  	[smem:$0x3FB2] =	sst s4  }
0xd: {  	[smem:$0x3FB3] =	sst s5  }
0xe: {  	[smem:$0x3FB4] =	sst s6  }
0xf: {  	[smem:$0x3FB5] =	sst s7  }
0x10: {  	[smem:$0x3FB6] =	sst s8  }
0x11: {  	[smem:$0x3FB7] =	sst s9;
	s0 =	simm.s32 @!p0 $0x0  }
0x12: {  	s1 =	sld [smem:$0x3F9D];
	s0 =	simm.s32 @p0 $0x1  }
0x13: {  	[smem:$0x3FB8] =	sst s0;
	s0 =	simm.s32 @!p1 $0x0  }
0x14: {  	s2 =	sld [smem:$0x3F9C];
	s0 =	simm.s32 @p1 $0x1  }
0x15: {  	[smem:$0x3FB9] =	sst s0;
	s0 =	simm.s32 @!p2 $0x0  }
0x16: {  	s3 =	sld [smem:$0x3FDB];
	s0 =	simm.s32 @p2 $0x1  }
0x17: {  	s4 =	simm.s32 $0x1BF5;
	[smem:$0x3FBB] =	sst s0  }
0x18: {  	s0 =	sld [smem:$0x3F9E];
	_ =	swait.ge [sflag:s4], $0x0  }
0x19: {  	s7 =	sld [smem:$0x3F9F]  }
0x1a: {  	s8 =	sadd.s32 $0xFFFFE003, lr  }
0x1b: {  	s9 =	sadd.s32 $0xFFFFFEF7, lr;
	s5 =	simm.s32 $0xFFFFFFFF;
	p2 =	slt.u32 s8, $0xFFFFF086  }
0x1c: {  	p1 =	slt.u32 s9, $0xF7A;
	s5 =	simm.s32 @!p2 $0x0  }
0x1d: {  	s5 =	simm.s32 @p1 $0x1;
	p0 =	seq.s32 s7, s2  }
0x1e: {  	s7 =	smul.u32 @!p0 $0xF7A, s2;
	p2 =	seq.s32 @!p0 s5, $0x0  }
0x1f: {  	s9 =	smul.u32 $0xF7A, s1;
	s8 =	simm.s32 @!p0 $0x1BF5;
	p2 =	por !p2, p0  }
0x20: {  	[sflag:s8] =	ssyncset.s32 @!p0 $0xFFFFF086;
	s6 =	sadd.s32 @!p0 s3, s7;
	s7 =	simm.s32 @!p0 $0x108  }
0x21: {  	s3 =	sadd.s32 s3, s9;
	s6 =	sadd.s32 @!p0 $0x88, s6;
	s7 =	simm.s32 @p2 $0x1082  }
0x22: {  	[simem:s7], [sflag:s8] =	dma.local @!p0 [hbm:s6], $0xF7A  }
0x23: {  	s9 =	sor.u32 $0xD0000000, s2;
	s6 =	simm.s32 $0x108;
	_ =	swait.ge @!p0 [sflag:s8], $0x0  }
0x24: {  	s3 =	sadd.s32 $0x88, s3;
	s6 =	simm.s32 @!p1 $0x1082;
	[sflag:s4] =	ssyncset.s32 $0xFFFFF086  }
0x25: {  	[simem:s6], [sflag:s4] =	dma.local [hbm:s3], $0xF7A  }
0x26: {  	[smem:$0x3F9F] =	sst s1;
	(tag) =	ssettag s2;
	_ =	strace s9  }
0x27: {  	s1 =	sld [smem:$0x3FAF]  }
0x28: {  	s2 =	sld [smem:$0x3FB0]  }
0x29: {  	s4 =	sld [smem:$0x3FB2]  }
0x2a: {  	p0 =	seq.s32 s5, $0x0;
	s5 =	sld [smem:$0x3FB3]  }
0x2b: {  	s6 =	sld [smem:$0x3FB4]  }
0x2c: {  	s7 =	sld [smem:$0x3FB5]  }
0x2d: {  	s3 =	simm.s32 $0x108;
	s8 =	sld [smem:$0x3FB6]  }
0x2e: {  	s3 =	simm.s32 @!p0 $0x1082;
	s9 =	sld [smem:$0x3FB7]  }
0x2f: {  	lr =	sadd.s32 s0, s3;
	s0 =	sld [smem:$0x3FAE]  }
0x30: {  	s3 =	sld [smem:$0x3FB1]  }
0x31: {  	[smem:$0x3FBA] =	sst s10  }
0x32: {  	s10 =	sld [smem:$0x3FB8];
	_ =	sdelay $0x3  }
0x33: {  	p0 =	seq.s32 s10, $0x1;
	s10 =	sld [smem:$0x3FBA];
	_ =	sdelay $0x3  }
0x34: {  	[smem:$0x3FBA] =	sst s10  }
0x35: {  	s10 =	sld [smem:$0x3FB9];
	_ =	sdelay $0x3  }
0x36: {  	p1 =	seq.s32 s10, $0x1;
	s10 =	sld [smem:$0x3FBA];
	_ =	sdelay $0x3  }
0x37: {  	[smem:$0x3FBA] =	sst s10  }
0x38: {  	s10 =	sld [smem:$0x3FBB]  }
0x39: {  	_ = 	snop;
	(pc) =	sbr.ind lr, $3  }
0x3a: {  	_ = 	snop  }
0x3b: {  	_ = 	snop  }
0x3c: {  	p2 =	seq.s32 s10, $0x1;
	s10 =	sld [smem:$0x3FBA]  }
0x3d: {  	_ =	shalt  }
0x3e: {  	_ =	shalt  }
0x3f: {  	_ =	shalt  }
0x40: {  	_ =	shalt  }
0x41: {  	_ =	shalt  }
0x42: {  	_ =	shalt  }
0x43: {  	_ =	shalt  }
0x44: {  	_ =	shalt  }
0x45: {  	_ =	shalt  }
0x46: {  	_ =	shalt  }
0x47: {  	_ =	shalt  }
0x48: {  	_ =	shalt  }
0x49: {  	_ =	shalt  }
0x4a: {  	_ =	shalt  }
0x4b: {  	_ =	shalt  }
0x4c: {  	_ =	shalt  }
0x4d: {  	_ =	shalt  }
0x4e: {  	_ =	shalt  }
0x4f: {  	_ =	shalt  }
0x50: {  	_ =	shalt  }
0x51: {  	_ =	shalt  }
0x52: {  	_ =	shalt  }
0x53: {  	_ =	shalt  }
0x54: {  	_ =	shalt  }
0x55: {  	_ =	shalt  }
0x56: {  	_ =	shalt  }
0x57: {  	_ =	shalt  }
0x58: {  	_ =	shalt  }
0x59: {  	_ =	shalt  }
0x5a: {  	_ =	shalt  }
0x5b: {  	_ =	shalt  }
0x5c: {  	_ =	shalt  }
0x5d: {  	_ =	shalt  }
0x5e: {  	_ =	shalt  }
0x5f: {  	_ =	shalt  }
0x60: {  	_ =	shalt  }
0x61: {  	_ =	shalt  }
0x62: {  	_ =	shalt  }
0x63: {  	_ =	shalt  }
0x64: {  	_ =	shalt  }
0x65: {  	_ =	shalt  }
0x66: {  	_ =	shalt  }
0x67: {  	_ =	shalt  }
0x68: {  	_ =	shalt  }
0x69: {  	_ =	shalt  }
0x6a: {  	_ =	shalt  }
0x6b: {  	_ =	shalt  }
0x6c: {  	_ =	shalt  }
0x6d: {  	_ =	shalt  }
0x6e: {  	_ =	shalt  }
0x6f: {  	_ =	shalt  }
0x70: {  	_ =	shalt  }
0x71: {  	_ =	shalt  }
0x72: {  	_ =	shalt  }
0x73: {  	_ =	shalt  }
0x74: {  	_ =	shalt  }
0x75: {  	_ =	shalt  }
0x76: {  	_ =	shalt  }
0x77: {  	_ =	shalt  }
0x78: {  	_ =	shalt  }
0x79: {  	_ =	shalt  }
0x7a: {  	_ =	shalt  }
0x7b: {  	_ =	shalt  }
0x7c: {  	_ =	shalt  }
0x7d: {  	_ =	shalt  }
0x7e: {  	_ =	shalt  }
0x7f: {  	_ =	shalt  }
0x80: {  	_ =	shalt  }
0x81: {  	_ =	shalt  }
0x82: {  	_ =	shalt  }
0x83: {  	_ =	shalt  }
0x84: {  	_ =	shalt  }
0x85: {  	_ =	shalt  }
0x86: {  	_ =	shalt  }
0x87: {  	_ =	shalt  }
.Lfunc_end0:
.L_simem_size_0:
called_computation.2_lowered:
.L_overlay_start_0:
0x88: {  	s2 =	sld [smem:$0x3FD9]  }
0x89: {  	s3 =	sld [smem:$0x3FFE];
	_ =	sdelay $0x1  }
0x8a: {  	s1 =	srdreg.scid  }
0x8b: {  	s0 =	sand.u32 $0x1, s1  }
0x8c: {  	s14 =	sshll.u32 s0, $0xA;
	s2 =	sadd.s32 s3, s2  }
0x8d: {  	s2 =	sadd.s32 s2, s14  }
0x8e: {  	[smem:$0x3FC6] =	sst s2  }
0x8f: {  	_ = 	snop  }
0x90: {  	s2 =	sld [smem:$0x3FD0];
	_ =	sdelay $0x2  }
0x91: {  	s15 =	simm.s32 $0xA;
	s4 =	simm.s32 $0x10  }
0x92: {  	[smem:s4], [sflag:s15] =	dma.local [hbm:s2], $0x1  }
0x93: {  	_ =	swait.eq [sflag:s15], $0x1  }
0x94: {  	[sflag:s15] =	ssyncset.done $0x0  }
0x95: {  	[sflag:s15] =	ssyncadd.s32 $0xFFFFFFFF  }
0x96: {  	s16 =	sld [smem:$0x11];
	(tm) =	ssettm $0x1  }
0x97: {  	s17 =	sld [smem:$0x3FFB];
	_ =	sdelay $0x3  }
0x98: {  	_ =	strace s17  }
0x99: {  	s3 =	sld [smem:$0x3FFC];
	_ =	sdelay $0x3  }
0x9a: {  	_ =	strace s3  }
0x9b: {  	s3 =	sld [smem:$0x3FFD];
	_ =	sdelay $0x3  }
0x9c: {  	_ =	strace s3  }
0x9d: {  	_ =	strace $0x8FFFFFFF  }
0x9e: {  	s18 =	sld [smem:$0x3FDB];
	_ =	sdelay $0x1  }
0x9f: {  	s19 =	simm.s32 $_scs_section_size  }
0xa0: {  	s5 =	simm.s32 $_size__tile_overlayer_lowered;
	s6 =	simm.s32 $_tile_overlayer_lowered  }
0xa1: {  	s22 =	simm.s32 $0x1BFF;
	s21 =	sshll.u32 s6, $0x1;
	s3 =	sadd.s32 s19, s18  }
0xa2: {  	s7 =	simm.s32 $0x0;
	s20 =	sshll.u32 s5, $0x1;
	s5 =	sadd.s32 s21, s3  }
0xa3: {  	[timem:s7], [sflag:s22] =	dma.local [hbm:s5], s20  }
0xa4: {  	_ =	swait.ge [sflag:s22], s20  }
0xa5: {  	s4 =	ssub.s32 $0x0, s20;
	[sflag:s22] =	ssyncset.done $0x0  }
0xa6: {  	[sflag:s22] =	ssyncadd.s32 s4;
	_ =	sdelay $0x1  }
0xa7: {  	s23 =	simm.s32 $0x1B8B  }
0xa8: {  	_ =	swait.ge [sflag:s23], $0x1  }
0xa9: {  	[sflag:s23] =	ssyncset.done $0x0  }
0xaa: {  	s25 =	simm.s32 $0x1B8E;
	s24 =	sld [smem:$0x3FFE];
	[sflag:s23] =	ssyncadd.s32 $0xFFFFFFFF  }
0xab: {  	s26 =	simm.s32 $execute0_lowered;
	[smem:$0x3FD2] =	sst s25  }
0xac: {  	s5 =	sshll.u32 s26, $0x1;
	_ =	strace $0x80000049;
	[dreg:$0x1] =	wrdreg $0xFFFFFFFF  }
0xad: {  	s28 =	simm.s32 $_size_execute0_lowered;
	s3 =	sadd.s32 s3, s5;
	[dreg:$0x0] =	wrdreg $0x0  }
0xae: {  	s5 =	sshll.u32 s28, $0x1;
	[dreg:$0x2] =	wrdreg s3  }
0xaf: {  	[dreg:$0x3] =	wrdreg s5  }
0xb0: {  	[dreg:$0x4] =	wrdreg $0xC0  }
0xb1: {  	_ =	task [dreg:s7], $0x5FFFF  }
0xb2: {  	[dreg:$0x1] =	wrdreg $0xFFFFFFFF  }
0xb3: {  	[dreg:$0x0] =	wrdreg $0x60  }
0xb4: {  	[dreg:$0x2] =	wrdreg s16  }
0xb5: {  	[dreg:$0x3] =	wrdreg s24  }
0xb6: {  	[dreg:$0x4] =	wrdreg $0x9  }
0xb7: {  	_ =	task.clear_ibuf [dreg:s7], $0x5FFFF;
	_ =	strace $0x90000049  }
0xb8: {  	s29 =	simm.s32 $0x9;
	_ =	strace $0x8000004B  }
0xb9: {  	_ =	swait.ge [sflag:s29], $0x1  }
0xba: {  	[sflag:s29] =	ssyncadd.s32 $0xFFFFFFFF  }
0xbb: {  	_ =	strace $0x9000004B  }
0xbc: {  	_ =	sfence  }
0xbd: {  	s30 =	sld [smem:$0x0];
	_ =	sdelay $0x2  }
0xbe: {  	s31 =	sshll.u32 s1, $0xD;
	s1 =	sshrl.u32 s1, $0x2  }
0xbf: {  	s3 =	sand.u32 $0x4000, s31;
	s1 =	sadd.s32 s1, s30  }
0xc0: {  	s0 =	sor.u32 s3, s0;
	s1 =	sshll.u32 s1, $0x11  }
0xc1: {  	s0 =	sor.u32 s1, s0  }
0xc2: {  	s0 =	sadd.s32 $0x8F2B, s0  }
0xc3: {  	[sflag:s0] =	ssyncadd.remote.s32 $0x1  }
0xc4: {  	_ =	sfence.sel $0xFFFF  }
0xc5: {  	[dreg:$0x0] =	wrdreg $0xFFFFFFFF;
	(pc) =	sbr.abs _section_cstart, $3  }
0xc6: {  	[dreg:$0x1] =	wrdreg $0xFFFFFFFF  }
0xc7: {  	_ =	task.clear_ibuf [dreg:s7], $0x2FFFF;
	_ =	strace $0x9FFFFFFF  }
0xc8: {  	(tm) =	ssettm $0x7FFFFFFF  }
0xc9: {  	_ =	shalt  }
tec
execute0_lowered:
.L_overlay_start_1:
0x0: {  	(tag) =	ssettag $0x1  }
0x1: {  	s1 =	srdreg.scid;
	s2 =	rddreg [dreg:$0x0]  }
0x2: {  	s0 =	stileid.u32;
	s5 =	rddreg [dreg:$0x1];
	s6 =	simm.s32 $0x1  }
0x3: {  	s9 =	simm.s32 $0x1;
	s10 =	simm.s32 $0x3;
	s1 =	sshll.u32 s1, $0x8  }
0x4: {  	s13 =	simm.s32 $0x0;
	s3 =	sshll.u32 s0, $0x9;
	s4 =	sand.u32 $0x100, s1  }
0x5: {  	s12 =	simm.s32 $0x0;
	s1 =	rddreg [dreg:$0x2];
	s3 =	sor.u32 s3, s4  }
0x6: {  	_ =	strace $0x8000004A;
	s4 =	sadd.s32 $0xC00, s5;
	s8 =	ssub.s32 $0x4000, s3  }
.Ltmp0:
0x7: {  	s5 =	sadd.s32 $0x1400, s5;
	s7 =	sand.u32 $0x1F00, s8;
	(pc) =	sbr.rel .LBB2_1-.Ltmp0, $4  }
0x8: {  	[sflag:s6] =	ssyncpa.u1 $0x0;
	s11 =	smov.u32 s3;
	p0 =	sne.s32 s7, $0x0  }
0x9: {  	s8 =	sshrl.u32 s8, $0xD;
	s7 =	simm.s32 $0x2;
	s9 =	simm.s32 @!p0 $0x0  }
0xa: {  	[sflag:s7] =	ssyncpa.u1 $0x0;
	p0 =	por $0x0, $0x0;
	s8 =	sadd.s32 s9, s8  }
0xb: {  	vm0 =	vmmov $0xffff;
	[sflag:s10] =	ssyncpa.u1 $0x0;
	s10 =	simm.s32 $0x0;
	s9 =	sadd.s32 $0x1, s8  }
.LBB2_4:
0xc: {  	v2 =	vnsel vm1, $0x0, v2  }
0xd: {  	vm1 =	vgt.s32 v0, $0x0;
	v2 =	vmin.u32 v2, $0xF423F  }
0xe: {  	v0 =	vnsel vm1, $0x0, v0  }
0xf: {  	v0 =	vmin.u32 v0, $0xF423F  }
0x10: {  	[tilespmem:s15], [sflag:$0x1] =	stream.indirect_vreg.gather [hbm4b:s2+s10], $0x1, v1, vm0, $0x4038;
	[tilespmem:$0x400] =	vst v63  }
0x11: {  	(ifvalue) =	ssetifvalue $0x7FFFFFFF  }
0x12: {  	[tilespmem:s16], [sflag:$0x1] =	stream.indirect_vreg.gather [hbm4b:s2+s10], $0x1, v2, vm0, $0x4038;
	[tilespmem:$0x400] =	vst v63  }
0x13: {  	s29 =	sadd.s32 $0x10, s16;
	(ifvalue) =	ssetifvalue $0x7FFFFFFF  }
0x14: {  	[tilespmem:s29], [sflag:$0x1] =	stream.indirect_vreg.gather [hbm4b:s2+s10], $0x1, v0, vm0, $0x4038;
	[tilespmem:$0x400] =	vst v63  }
0x15: {  	_ =	swait.ge [sflag:s6], $0x100  }
0x16: {  	s30 =	sshrl.u32 s13, $0x3;
	[sflag:s6] =	ssyncset.done $0x0  }
0x17: {  	s31 =	sand.u32 $0x7, s13;
	s15 =	sadd.s32 s5, s30;
	[sflag:s6] =	ssyncadd.s32 $0xFFFFFF00  }
0x18: {  	[hbm4b:s15+s31] =	stream.linear.scatter [tilespmem:s14], [sflag:$0x3], $0x100, $0x38;
	[tilespmem:$0x400] =	vst v63  }
.LBB2_5:
0x19: {  	s15 =	sadd.s32 $0x2000, s11  }
0x1a: {  	p2 =	sgt.s32 s15, $0x3FFF  }
0x1b: {  	s15 =	smov.u32 @p2 s3;
	p2 =	sne.s32 s12, s9  }
.Ltmp1:
0x1c: {  	p1 =	slt.u32 s12, $0x2;
	(pc) =	sbr.rel @!p2 .LBB2_6-.Ltmp1, $4  }
0x1d: {  	s14 =	simm.s32 @!p1 $0x3  }
0x1e: {  	s16 =	sadd.s32 $0x1, s12;
	_ =	swait.ge @!p1 [sflag:s14], $0x100  }
0x1f: {  	s13 =	smov.u32 s11;
	p0 =	por !p0, !p0;
	[sflag:s14] =	ssyncset.done @!p1 $0x0  }
0x20: {  	s12 =	smov.u32 s16;
	s11 =	smov.u32 s15;
	[sflag:s14] =	ssyncadd.s32 @!p1 $0xFFFFFF00  }
.LBB2_1:
0x21: {  	p1 =	sge.u32 s12, s8  }
0x22: {  	s14 =	sxor.u32 @!p1 $0xFFFFFFFF, s12  }
0x23: {  	s31 =	sadd.s32 $0xFFFFFFFF, s12;
	s15 =	sshrl.u32 @!p1 s11, $0x3;
	s14 =	sshll.u32 @!p1 s14, $0x8  }
0x24: {  	s16 =	sand.u32 @!p1 $0x7, s11;
	s15 =	sadd.s32 @!p1 s4, s15;
	s14 =	sand.u32 @!p1 $0x100, s14  }
0x25: {  	[tilespmem:s14], [sflag:$0x2] =	stream.linear.gather @!p1 [hbm4b:s15+s16], $0x100, $0x38;
	[tilespmem:$0x400] =	vst v63  }
0x26: {  	p1 =	sge.u32 s31, s8  }
.Ltmp2:
0x27: {  	_ = 	snop;
	(pc) =	sbr.rel @p1 .LBB2_5-.Ltmp2, $1  }
0x28: {  	_ =	sdelay $0x3  }
0x29: {  	s14 =	simm.s32 $0x1  }
0x2a: {  	_ =	swait.ge [sflag:s7], $0x100;
	s14 =	simm.s32 @!p0 $0x0  }
0x2b: {  	[sflag:s7] =	ssyncset.done $0x0;
	s14 =	sshll.u32 s14, $0x8  }
0x2c: {  	[sflag:s7] =	ssyncadd.s32 $0xFFFFFF00;
	(ifvalue) =	ssetifvalue $0x7FFFFFFF;
	v0 =	vld.msk [tilespmem:s14+$0x0 ss:$0x1], $0xffff;
	_ =	sdelay $0x4  }
0x2d: {  	s15 =	sadd.s32 $0x10, s14;
	vm1 =	vgt.s32 v0, $0x0  }
0x2e: {  	v2 =	vld.msk [tilespmem:s15+$0x0 ss:$0x1], $0xffff;
	v1 =	vnsel vm1, $0x0, v0  }
0x2f: {  	v1 =	vmin.u32 v1, $0xF423F;
	_ =	sdelay $0x1  }
0x30: {  	s16 =	sshll.u32 s12, $0x8;
	s18 =	simm.s32 $0x20  }
0x31: {  	s16 =	sand.u32 $0x100, s16;
	s17 =	sadd.s32 $0x10, s15;
	s15 =	sor.u32 $0x200, s14  }
0x32: {  	s14 =	sor.u32 $0x200, s16;
	s16 =	sadd.s32 $0x10, s15;
	v0 =	vld.msk [tilespmem:s17+$0x0 ss:$0x1], $0xffff;
	vm1 =	vgt.s32 v2, $0x0;
	(ifvalue) =	ssetifvalue $0x7FFFFFFF  }
.LBB2_3:
0x33: {  	[tilespmem:s15], [sflag:$0x1] =	stream.indirect_vreg.gather [hbm4b:s2+s10], $0x1, v1, vm0, $0x4038;
	[tilespmem:$0x400] =	vst v63  }
0x34: {  	s18 =	sadd.s32 $0x10, s18  }
0x35: {  	v2 =	vnsel vm1, $0x0, v2;
	p1 =	slt.u32 s18, $0xF0  }
.Ltmp3:
0x36: {  	s15 =	smov.u32 s16;
	v1 =	vmin.u32 v2, $0xF423F;
	(pc) =	sbr.rel @p1 .LBB2_3-.Ltmp3, $3  }
0x37: {  	_ =	sdelay $0x1  }
0x38: {  	s17 =	sadd.s32 $0x10, s17  }
0x39: {  	vm1 =	vgt.s32 v0, $0x0;
	s16 =	sadd.s32 $0x10, s16;
	v2 =	vmov v0;
	(ifvalue) =	ssetifvalue $0x7FFFFFFF;
	v0 =	vld.msk [tilespmem:s17+$0x0 ss:$0x1], $0xffff  }
.Ltmp4:
0x3a: {  	_ = 	snop;
	(pc) =	sbr.rel .LBB2_4-.Ltmp4, $1  }
0x3b: {  	_ =	sdelay $0x3  }
.LBB2_6:
0x3c: {  	_ =	sfence.sel $0x180000  }
0x3d: {  	s2 =	simm.s32 $0x2;
	[bflag:$0x0] =	sbarrier.arrive $0xFFFF  }
0x3e: {  	s30 =	simm.s32 $0x3;
	[sflag:s2] =	ssyncpa.u1 $0x1  }
0x3f: {  	s31 =	simm.s32 $0x1;
	[sflag:s30] =	ssyncpa.u1 $0x1  }
0x40: {  	[sflag:s31] =	ssyncpa.u1 $0x1  }
0x41: {  	p0 =	sne.s32 s0, $0x0;
	_ =	strace $0x9000004A  }
0x42: {  	s0 =	sadd.s32 @!p0 $0x100000, s1;
	[bflag:$0x2] =	sbarrier.arrive $0xFFFF  }
0x43: {  	[sflag:s0] =	ssyncadd.tile.s32 @!p0 $0x1;
	_ =	shalt  }
.Lfunc_end2:
_tile_overlayer_lowered:
.L_overlay_start_2:
0x44: {  	(tag) =	ssettag $0x2  }
0x45: {  	s0 =	rddreg [dreg:$0x0];
	s2 =	stileid.u32  }
0x46: {  	s1 =	rddreg [dreg:$0x1];
	p0 =	sne.s32 s2, $0x0  }
0x47: {  	s3 =	rddreg [dreg:$0x2];
	[bflag:$0x3] =	sbarrier.arrive $0xFFFF;
	s2 =	simm.s32 @!p0 $0x1C01  }
0x48: {  	[timem:s3], [sflag:s2] =	dma.local @!p0 [hbm:s0], s1  }
0x49: {  	s0 =	simm.s32 @!p0 $0x1  }
0x4a: {  	_ =	swait.ge @!p0 [sflag:s0], s1  }
0x4b: {  	s1 =	ssub.s32 @!p0 $0x0, s1;
	[sflag:s0] =	ssyncset.done @!p0 $0x0  }
0x4c: {  	[sflag:s0] =	ssyncadd.s32 @!p0 s1  }
0x4d: {  	[bflag:$0x3] =	sbarrier.arrive $0xFFFF  }
0x4e: {  	_ =	shalt  }

// kernel: kernel.3.cloned.1.call-start
scs
__scs_entry_jumppad:
0x0: {  	(pc) =	sbr.rel $0x88, $3  }
0x1: {  	(tag) =	ssettag $0x0;
	lr =	simm.s32 $0x1  }
0x2: {  	[smem:$0x3F9F] =	sst lr;
	_ =	strace $0xD0000000  }
0x3: {  	_ = 	snop  }
0x4: {  	_ = 	snop  }
0x5: {  	_ = 	snop  }
0x6: {  	_ = 	snop  }
0x7: {  	_ = 	snop  }
__scs_overlays_trampoline_lowered:
0x8: {  	[smem:$0x3FAE] =	sst s0  }
0x9: {  	[smem:$0x3FAF] =	sst s1  }
0xa: {  	[smem:$0x3FB0] =	sst s2  }
0xb: {  	[smem:$0x3FB1] =	sst s3  }
0xc: {  	[smem:$0x3FB2] =	sst s4  }
0xd: {  	[smem:$0x3FB3] =	sst s5  }
0xe: {  	[smem:$0x3FB4] =	sst s6  }
0xf: {  	[smem:$0x3FB5] =	sst s7  }
0x10: {  	[smem:$0x3FB6] =	sst s8  }
0x11: {  	[smem:$0x3FB7] =	sst s9;
	s0 =	simm.s32 @!p0 $0x0  }
0x12: {  	s1 =	sld [smem:$0x3F9D];
	s0 =	simm.s32 @p0 $0x1  }
0x13: {  	[smem:$0x3FB8] =	sst s0;
	s0 =	simm.s32 @!p1 $0x0  }
0x14: {  	s2 =	sld [smem:$0x3F9C];
	s0 =	simm.s32 @p1 $0x1  }
0x15: {  	[smem:$0x3FB9] =	sst s0;
	s0 =	simm.s32 @!p2 $0x0  }
0x16: {  	s3 =	sld [smem:$0x3FDB];
	s0 =	simm.s32 @p2 $0x1  }
0x17: {  	s4 =	simm.s32 $0x1BF5;
	[smem:$0x3FBB] =	sst s0  }
0x18: {  	s0 =	sld [smem:$0x3F9E];
	_ =	swait.ge [sflag:s4], $0x0  }
0x19: {  	s7 =	sld [smem:$0x3F9F]  }
0x1a: {  	s8 =	sadd.s32 $0xFFFFE003, lr  }
0x1b: {  	s9 =	sadd.s32 $0xFFFFFEF7, lr;
	s5 =	simm.s32 $0xFFFFFFFF;
	p2 =	slt.u32 s8, $0xFFFFF086  }
0x1c: {  	p1 =	slt.u32 s9, $0xF7A;
	s5 =	simm.s32 @!p2 $0x0  }
0x1d: {  	s5 =	simm.s32 @p1 $0x1;
	p0 =	seq.s32 s7, s2  }
0x1e: {  	s7 =	smul.u32 @!p0 $0xF7A, s2;
	p2 =	seq.s32 @!p0 s5, $0x0  }
0x1f: {  	s9 =	smul.u32 $0xF7A, s1;
	s8 =	simm.s32 @!p0 $0x1BF5;
	p2 =	por !p2, p0  }
0x20: {  	[sflag:s8] =	ssyncset.s32 @!p0 $0xFFFFF086;
	s6 =	sadd.s32 @!p0 s3, s7;
	s7 =	simm.s32 @!p0 $0x108  }
0x21: {  	s3 =	sadd.s32 s3, s9;
	s6 =	sadd.s32 @!p0 $0x88, s6;
	s7 =	simm.s32 @p2 $0x1082  }
0x22: {  	[simem:s7], [sflag:s8] =	dma.local @!p0 [hbm:s6], $0xF7A  }
0x23: {  	s9 =	sor.u32 $0xD0000000, s2;
	s6 =	simm.s32 $0x108;
	_ =	swait.ge @!p0 [sflag:s8], $0x0  }
0x24: {  	s3 =	sadd.s32 $0x88, s3;
	s6 =	simm.s32 @!p1 $0x1082;
	[sflag:s4] =	ssyncset.s32 $0xFFFFF086  }
0x25: {  	[simem:s6], [sflag:s4] =	dma.local [hbm:s3], $0xF7A  }
0x26: {  	[smem:$0x3F9F] =	sst s1;
	(tag) =	ssettag s2;
	_ =	strace s9  }
0x27: {  	s1 =	sld [smem:$0x3FAF]  }
0x28: {  	s2 =	sld [smem:$0x3FB0]  }
0x29: {  	s4 =	sld [smem:$0x3FB2]  }
0x2a: {  	p0 =	seq.s32 s5, $0x0;
	s5 =	sld [smem:$0x3FB3]  }
0x2b: {  	s6 =	sld [smem:$0x3FB4]  }
0x2c: {  	s7 =	sld [smem:$0x3FB5]  }
0x2d: {  	s3 =	simm.s32 $0x108;
	s8 =	sld [smem:$0x3FB6]  }
0x2e: {  	s3 =	simm.s32 @!p0 $0x1082;
	s9 =	sld [smem:$0x3FB7]  }
0x2f: {  	lr =	sadd.s32 s0, s3;
	s0 =	sld [smem:$0x3FAE]  }
0x30: {  	s3 =	sld [smem:$0x3FB1]  }
0x31: {  	[smem:$0x3FBA] =	sst s10  }
0x32: {  	s10 =	sld [smem:$0x3FB8];
	_ =	sdelay $0x3  }
0x33: {  	p0 =	seq.s32 s10, $0x1;
	s10 =	sld [smem:$0x3FBA];
	_ =	sdelay $0x3  }
0x34: {  	[smem:$0x3FBA] =	sst s10  }
0x35: {  	s10 =	sld [smem:$0x3FB9];
	_ =	sdelay $0x3  }
0x36: {  	p1 =	seq.s32 s10, $0x1;
	s10 =	sld [smem:$0x3FBA];
	_ =	sdelay $0x3  }
0x37: {  	[smem:$0x3FBA] =	sst s10  }
0x38: {  	s10 =	sld [smem:$0x3FBB]  }
0x39: {  	_ = 	snop;
	(pc) =	sbr.ind lr, $3  }
0x3a: {  	_ = 	snop  }
0x3b: {  	_ = 	snop  }
0x3c: {  	p2 =	seq.s32 s10, $0x1;
	s10 =	sld [smem:$0x3FBA]  }
0x3d: {  	_ =	shalt  }
0x3e: {  	_ =	shalt  }
0x3f: {  	_ =	shalt  }
0x40: {  	_ =	shalt  }
0x41: {  	_ =	shalt  }
0x42: {  	_ =	shalt  }
0x43: {  	_ =	shalt  }
0x44: {  	_ =	shalt  }
0x45: {  	_ =	shalt  }
0x46: {  	_ =	shalt  }
0x47: {  	_ =	shalt  }
0x48: {  	_ =	shalt  }
0x49: {  	_ =	shalt  }
0x4a: {  	_ =	shalt  }
0x4b: {  	_ =	shalt  }
0x4c: {  	_ =	shalt  }
0x4d: {  	_ =	shalt  }
0x4e: {  	_ =	shalt  }
0x4f: {  	_ =	shalt  }
0x50: {  	_ =	shalt  }
0x51: {  	_ =	shalt  }
0x52: {  	_ =	shalt  }
0x53: {  	_ =	shalt  }
0x54: {  	_ =	shalt  }
0x55: {  	_ =	shalt  }
0x56: {  	_ =	shalt  }
0x57: {  	_ =	shalt  }
0x58: {  	_ =	shalt  }
0x59: {  	_ =	shalt  }
0x5a: {  	_ =	shalt  }
0x5b: {  	_ =	shalt  }
0x5c: {  	_ =	shalt  }
0x5d: {  	_ =	shalt  }
0x5e: {  	_ =	shalt  }
0x5f: {  	_ =	shalt  }
0x60: {  	_ =	shalt  }
0x61: {  	_ =	shalt  }
0x62: {  	_ =	shalt  }
0x63: {  	_ =	shalt  }
0x64: {  	_ =	shalt  }
0x65: {  	_ =	shalt  }
0x66: {  	_ =	shalt  }
0x67: {  	_ =	shalt  }
0x68: {  	_ =	shalt  }
0x69: {  	_ =	shalt  }
0x6a: {  	_ =	shalt  }
0x6b: {  	_ =	shalt  }
0x6c: {  	_ =	shalt  }
0x6d: {  	_ =	shalt  }
0x6e: {  	_ =	shalt  }
0x6f: {  	_ =	shalt  }
0x70: {  	_ =	shalt  }
0x71: {  	_ =	shalt  }
0x72: {  	_ =	shalt  }
0x73: {  	_ =	shalt  }
0x74: {  	_ =	shalt  }
0x75: {  	_ =	shalt  }
0x76: {  	_ =	shalt  }
0x77: {  	_ =	shalt  }
0x78: {  	_ =	shalt  }
0x79: {  	_ =	shalt  }
0x7a: {  	_ =	shalt  }
0x7b: {  	_ =	shalt  }
0x7c: {  	_ =	shalt  }
0x7d: {  	_ =	shalt  }
0x7e: {  	_ =	shalt  }
0x7f: {  	_ =	shalt  }
0x80: {  	_ =	shalt  }
0x81: {  	_ =	shalt  }
0x82: {  	_ =	shalt  }
0x83: {  	_ =	shalt  }
0x84: {  	_ =	shalt  }
0x85: {  	_ =	shalt  }
0x86: {  	_ =	shalt  }
0x87: {  	_ =	shalt  }
.Lfunc_end0:
.L_simem_size_0:
called_computation.3_lowered:
.L_overlay_start_0:
0x88: {  	s2 =	sld [smem:$0x3FD9]  }
0x89: {  	s3 =	sld [smem:$0x3FFE];
	_ =	sdelay $0x1  }
0x8a: {  	s1 =	srdreg.scid  }
0x8b: {  	s0 =	sand.u32 $0x1, s1  }
0x8c: {  	s14 =	sshll.u32 s0, $0xA;
	s2 =	sadd.s32 s3, s2  }
0x8d: {  	s2 =	sadd.s32 s2, s14  }
0x8e: {  	[smem:$0x3FC6] =	sst s2  }
0x8f: {  	_ = 	snop  }
0x90: {  	s2 =	sld [smem:$0x3FD0];
	_ =	sdelay $0x2  }
0x91: {  	s4 =	simm.s32 $0xA;
	s5 =	simm.s32 $0x10;
	s15 =	sld [smem:$0x3FC9]  }
0x92: {  	[smem:s5], [sflag:s4] =	dma.local [hbm:s2], $0x1  }
0x93: {  	_ =	swait.eq [sflag:s4], $0x1  }
0x94: {  	[sflag:s4] =	ssyncset.done $0x0  }
0x95: {  	s16 =	sld [smem:$0x10];
	[sflag:s4] =	ssyncadd.s32 $0xFFFFFFFF  }
0x96: {  	s17 =	sld [smem:$0x11];
	(tm) =	ssettm $0x1  }
0x97: {  	s18 =	sld [smem:$0x3FFB];
	_ =	sdelay $0x3  }
0x98: {  	_ =	strace s18  }
0x99: {  	s5 =	sld [smem:$0x3FFC];
	_ =	sdelay $0x3  }
0x9a: {  	_ =	strace s5  }
0x9b: {  	s5 =	sld [smem:$0x3FFD];
	_ =	sdelay $0x3  }
0x9c: {  	_ =	strace s5  }
0x9d: {  	_ =	strace $0x8FFFFFFF  }
0x9e: {  	s19 =	sld [smem:$0x3FDB];
	_ =	sdelay $0x1  }
0x9f: {  	s6 =	simm.s32 $_scs_section_size  }
0xa0: {  	s7 =	simm.s32 $_size__tile_overlayer_lowered;
	s8 =	simm.s32 $_tile_overlayer_lowered  }
0xa1: {  	s22 =	simm.s32 $0x1BFF;
	s21 =	sshll.u32 s8, $0x1;
	s5 =	sadd.s32 s6, s19  }
0xa2: {  	s9 =	simm.s32 $0x0;
	s20 =	sshll.u32 s7, $0x1;
	s7 =	sadd.s32 s21, s5  }
0xa3: {  	[timem:s9], [sflag:s22] =	dma.local [hbm:s7], s20  }
0xa4: {  	_ =	swait.ge [sflag:s22], s20  }
0xa5: {  	s6 =	ssub.s32 $0x0, s20;
	[sflag:s22] =	ssyncset.done $0x0  }
0xa6: {  	[sflag:s22] =	ssyncadd.s32 s6;
	_ =	sdelay $0x1  }
0xa7: {  	s23 =	simm.s32 $0x1B8B  }
0xa8: {  	_ =	swait.ge [sflag:s23], $0x1  }
0xa9: {  	[sflag:s23] =	ssyncset.done $0x0  }
0xaa: {  	s25 =	simm.s32 $0x1B8E;
	s24 =	sld [smem:$0x3FFE];
	[sflag:s23] =	ssyncadd.s32 $0xFFFFFFFF  }
0xab: {  	s26 =	simm.s32 $execute0_lowered;
	[smem:$0x3FD2] =	sst s25  }
0xac: {  	s7 =	sshll.u32 s26, $0x1;
	_ =	strace $0x8000004C;
	[dreg:$0x1] =	wrdreg $0xFFFFFFFF  }
0xad: {  	s28 =	simm.s32 $_size_execute0_lowered;
	s5 =	sadd.s32 s5, s7;
	[dreg:$0x0] =	wrdreg $0x0  }
0xae: {  	s7 =	sshll.u32 s28, $0x1;
	[dreg:$0x2] =	wrdreg s5  }
0xaf: {  	[dreg:$0x3] =	wrdreg s7  }
0xb0: {  	[dreg:$0x4] =	wrdreg $0xC0  }
0xb1: {  	_ =	task [dreg:s9], $0x5FFFF  }
0xb2: {  	[dreg:$0x1] =	wrdreg $0xFFFFFFFF  }
0xb3: {  	[dreg:$0x0] =	wrdreg $0x60  }
0xb4: {  	[dreg:$0x2] =	wrdreg s17  }
0xb5: {  	[dreg:$0x3] =	wrdreg s15  }
0xb6: {  	[dreg:$0x4] =	wrdreg s24  }
0xb7: {  	[dreg:$0x5] =	wrdreg s16  }
0xb8: {  	[dreg:$0x6] =	wrdreg $0x9  }
0xb9: {  	_ =	task.clear_ibuf [dreg:s9], $0x7FFFF;
	_ =	strace $0x9000004C  }
0xba: {  	s29 =	simm.s32 $0x9;
	_ =	strace $0x8000004E  }
0xbb: {  	_ =	swait.ge [sflag:s29], $0x1  }
0xbc: {  	[sflag:s29] =	ssyncadd.s32 $0xFFFFFFFF  }
0xbd: {  	_ =	strace $0x9000004E  }
0xbe: {  	_ =	sfence  }
0xbf: {  	s30 =	sld [smem:$0x0];
	_ =	sdelay $0x2  }
0xc0: {  	s31 =	sshll.u32 s1, $0xD;
	s1 =	sshrl.u32 s1, $0x2  }
0xc1: {  	s3 =	sand.u32 $0x4000, s31;
	s1 =	sadd.s32 s1, s30  }
0xc2: {  	s0 =	sor.u32 s3, s0;
	s1 =	sshll.u32 s1, $0x11  }
0xc3: {  	s0 =	sor.u32 s1, s0  }
0xc4: {  	s0 =	sadd.s32 $0x8F2B, s0  }
0xc5: {  	[sflag:s0] =	ssyncadd.remote.s32 $0x1  }
0xc6: {  	_ =	sfence.sel $0xFFFF  }
0xc7: {  	[dreg:$0x0] =	wrdreg $0xFFFFFFFF;
	(pc) =	sbr.abs _section_cstart, $3  }
0xc8: {  	[dreg:$0x1] =	wrdreg $0xFFFFFFFF  }
0xc9: {  	_ =	task.clear_ibuf [dreg:s9], $0x2FFFF;
	_ =	strace $0x9FFFFFFF  }
0xca: {  	(tm) =	ssettm $0x7FFFFFFF  }
0xcb: {  	_ =	shalt  }
tec
execute0_lowered:
.L_overlay_start_1:
0x0: {  	(tag) =	ssettag $0x1  }
0x1: {  	s1 =	rddreg [dreg:$0x0]  }
0x2: {  	s5 =	rddreg [dreg:$0x1]  }
0x3: {  	s19 =	rddreg [dreg:$0x2]  }
0x4: {  	s2 =	srdreg.scid;
	s0 =	stileid.u32  }
0x5: {  	s3 =	rddreg [dreg:$0x3];
	s22 =	sand.u32 $0x1, s2;
	s6 =	sshll.u32 s0, $0x1  }
0x6: {  	s4 =	simm.s32 $0x0;
	s2 =	rddreg [dreg:$0x4];
	s18 =	sor.u32 s22, s6  }
0x7: {  	[smem:$0x7FF] =	sst s4;
	s7 =	sshll.u32 s18, $0x6  }
0x8: {  	_ =	strace $0x8000004D;
	s6 =	simm.s32 $0x3;
	s5 =	sadd.s32 s5, s7  }
0x9: {  	[tilespmem:s4], [sflag:$0x3] =	stream.linear.gather [hbm4b:s5+s4], $0x200, $0x38;
	[tilespmem:$0x8400] =	vst v63  }
0xa: {  	_ =	swait.ge [sflag:s6], $0x200  }
0xb: {  	s7 =	sadd.s32 s7, s19;
	[sflag:s6] =	ssyncset.done $0x0  }
0xc: {  	s8 =	simm.s32 $0x200;
	s7 =	sadd.s32 $0x1400, s7;
	[sflag:s6] =	ssyncadd.s32 $0xFFFFFE00  }
0xd: {  	[tilespmem:s8], [sflag:$0x3] =	stream.linear.gather [hbm4b:s7+s4], $0x200, $0x38;
	[tilespmem:$0x8400] =	vst v63  }
0xe: {  	_ =	swait.ge [sflag:s6], $0x200  }
0xf: {  	[sflag:s6] =	ssyncset.done $0x0  }
0x10: {  	s9 =	simm.s32 $0x80;
	s10 =	simm.s32 $0x400;
	[sflag:s6] =	ssyncadd.s32 $0xFFFFFE00  }
0x11: {  	[tilespmem:s10], [sflag:$0x1] =	stream.indirect.gather [hbm4b:s3+s9], $0x40, s8, s9, $0xb8;
	[tilespmem:$0x8400] =	vst v63  }
0x12: {  	s11 =	simm.s32 $0x280;
	s12 =	simm.s32 $0x2400  }
0x13: {  	[tilespmem:s12], [sflag:$0x1] =	stream.indirect.gather [hbm4b:s3+s9], $0x40, s11, s9, $0xb8;
	[tilespmem:$0x8400] =	vst v63  }
0x14: {  	s13 =	simm.s32 $0x300;
	s14 =	simm.s32 $0x4400  }
0x15: {  	[tilespmem:s14], [sflag:$0x1] =	stream.indirect.gather [hbm4b:s3+s9], $0x40, s13, s9, $0xb8;
	[tilespmem:$0x8400] =	vst v63  }
0x16: {  	s15 =	simm.s32 $0x380;
	s16 =	simm.s32 $0x6400;
	s17 =	simm.s32 $0x1  }
0x17: {  	[tilespmem:s16], [sflag:$0x1] =	stream.indirect.gather [hbm4b:s3+s9], $0x40, s15, s9, $0xb8;
	[tilespmem:$0x8400] =	vst v63  }
0x18: {  	_ =	swait.ge [sflag:s17], $0x2000  }
0x19: {  	[sflag:s17] =	ssyncset.done $0x0  }
0x1a: {  	[sflag:s17] =	ssyncadd.s32 $0xFFFFE000  }
0x1b: {  	_ =	swait.ge [sflag:s17], $0x2000  }
0x1c: {  	[sflag:s17] =	ssyncset.done $0x0  }
0x1d: {  	[sflag:s17] =	ssyncadd.s32 $0xFFFFE000  }
0x1e: {  	_ =	swait.ge [sflag:s17], $0x2000  }
0x1f: {  	[sflag:s17] =	ssyncset.done $0x0  }
0x20: {  	[sflag:s17] =	ssyncadd.s32 $0xFFFFE000  }
0x21: {  	_ =	swait.ge [sflag:s17], $0x2000  }
0x22: {  	[sflag:s17] =	ssyncset.done $0x0  }
0x23: {  	[sflag:s17] =	ssyncadd.s32 $0xFFFFE000  }
0x24: {  	[hbm4b:s1+s9] =	stream.indirect.scatter [tilespmem:s10], [sflag:$0x2], $0x40, s4, s9, $0xb8;
	[tilespmem:$0x8400] =	vst v63  }
0x25: {  	_ = 	snop  }
0x26: {  	[hbm4b:s1+s9] =	stream.indirect.scatter [tilespmem:s12], [sflag:$0x2], $0x40, s9, s9, $0xb8;
	[tilespmem:$0x8400] =	vst v63  }
0x27: {  	s20 =	sshll.u32 s18, $0xC;
	s18 =	simm.s32 $0x100  }
0x28: {  	[hbm4b:s1+s9] =	stream.indirect.scatter [tilespmem:s14], [sflag:$0x2], $0x40, s18, s9, $0xb8;
	[tilespmem:$0x8400] =	vst v63  }
0x29: {  	s20 =	sadd.s32 s20, s19;
	s19 =	simm.s32 $0x180  }
0x2a: {  	[hbm4b:s1+s9] =	stream.indirect.scatter [tilespmem:s16], [sflag:$0x2], $0x40, s19, s9, $0xb8;
	[tilespmem:$0x8400] =	vst v63  }
0x2b: {  	s20 =	sadd.s32 $0x1C00, s20  }
0x2c: {  	[hbm4b:s20+s4] =	stream.linear.scatter [tilespmem:s10], [sflag:$0x3], $0x8000, $0x38;
	[tilespmem:$0x8400] =	vst v63  }
0x2d: {  	_ =	swait.ge [sflag:s6], $0x8000  }
0x2e: {  	[sflag:s6] =	ssyncset.done $0x0  }
0x2f: {  	s21 =	simm.s32 $0x2;
	[sflag:s6] =	ssyncadd.s32 $0xFFFF8000  }
0x30: {  	_ =	swait.ge [sflag:s21], $0x2000  }
0x31: {  	s22 =	ssub.s32 $0x2, s22;
	[sflag:s21] =	ssyncset.done $0x0  }
0x32: {  	s23 =	sshrl.u32 s22, $0x1;
	[sflag:s21] =	ssyncadd.s32 $0xFFFFE000  }
0x33: {  	s22 =	ssub.s32 s22, s23;
	_ =	swait.ge [sflag:s21], $0x2000  }
0x34: {  	s22 =	smax.u32 s22, $0x1;
	[sflag:s21] =	ssyncset.done $0x0  }
0x35: {  	p0 =	sne.s32 s22, $0x1;
	[sflag:s21] =	ssyncadd.s32 $0xFFFFE000  }
.Ltmp0:
0x36: {  	_ =	swait.ge [sflag:s21], $0x2000;
	(pc) =	sbr.rel @!p0 .LBB2_2-.Ltmp0, $4  }
0x37: {  	[sflag:s21] =	ssyncset.done $0x0  }
0x38: {  	[sflag:s21] =	ssyncadd.s32 $0xFFFFE000  }
0x39: {  	_ =	swait.ge [sflag:s21], $0x2000  }
0x3a: {  	s22 =	sadd.s32 $0xFFFFFFFF, s22;
	[sflag:s21] =	ssyncset.done $0x0  }
.LBB2_1:
0x3b: {  	p0 =	sne.s32 s22, $0x1;
	s22 =	sadd.s32 $0xFFFFFFFF, s22;
	[sflag:s21] =	ssyncadd.s32 $0xFFFFE000  }
0x3c: {  	[tilespmem:s4], [sflag:$0x3] =	stream.linear.gather [hbm4b:s5+s4], $0x200, $0x38;
	[tilespmem:$0x8400] =	vst v63  }
0x3d: {  	_ =	swait.ge [sflag:s6], $0x200  }
0x3e: {  	[sflag:s6] =	ssyncset.done $0x0  }
0x3f: {  	[sflag:s6] =	ssyncadd.s32 $0xFFFFFE00  }
0x40: {  	[tilespmem:s8], [sflag:$0x3] =	stream.linear.gather [hbm4b:s7+s4], $0x200, $0x38;
	[tilespmem:$0x8400] =	vst v63  }
0x41: {  	_ =	swait.ge [sflag:s6], $0x200  }
0x42: {  	[sflag:s6] =	ssyncset.done $0x0  }
0x43: {  	[sflag:s6] =	ssyncadd.s32 $0xFFFFFE00  }
0x44: {  	[tilespmem:s10], [sflag:$0x1] =	stream.indirect.gather [hbm4b:s3+s9], $0x40, s8, s9, $0xb8;
	[tilespmem:$0x8400] =	vst v63  }
0x45: {  	_ = 	snop  }
0x46: {  	[tilespmem:s12], [sflag:$0x1] =	stream.indirect.gather [hbm4b:s3+s9], $0x40, s11, s9, $0xb8;
	[tilespmem:$0x8400] =	vst v63  }
0x47: {  	_ = 	snop  }
0x48: {  	[tilespmem:s14], [sflag:$0x1] =	stream.indirect.gather [hbm4b:s3+s9], $0x40, s13, s9, $0xb8;
	[tilespmem:$0x8400] =	vst v63  }
0x49: {  	_ = 	snop  }
0x4a: {  	[tilespmem:s16], [sflag:$0x1] =	stream.indirect.gather [hbm4b:s3+s9], $0x40, s15, s9, $0xb8;
	[tilespmem:$0x8400] =	vst v63  }
0x4b: {  	_ =	swait.ge [sflag:s17], $0x2000  }
0x4c: {  	[sflag:s17] =	ssyncset.done $0x0  }
0x4d: {  	[sflag:s17] =	ssyncadd.s32 $0xFFFFE000  }
0x4e: {  	_ =	swait.ge [sflag:s17], $0x2000  }
0x4f: {  	[sflag:s17] =	ssyncset.done $0x0  }
0x50: {  	[sflag:s17] =	ssyncadd.s32 $0xFFFFE000  }
0x51: {  	_ =	swait.ge [sflag:s17], $0x2000  }
0x52: {  	[sflag:s17] =	ssyncset.done $0x0  }
0x53: {  	[sflag:s17] =	ssyncadd.s32 $0xFFFFE000  }
0x54: {  	_ =	swait.ge [sflag:s17], $0x2000  }
0x55: {  	[sflag:s17] =	ssyncset.done $0x0  }
0x56: {  	[sflag:s17] =	ssyncadd.s32 $0xFFFFE000  }
0x57: {  	[hbm4b:s1+s9] =	stream.indirect.scatter [tilespmem:s10], [sflag:$0x2], $0x40, s4, s9, $0xb8;
	[tilespmem:$0x8400] =	vst v63  }
0x58: {  	_ = 	snop  }
0x59: {  	[hbm4b:s1+s9] =	stream.indirect.scatter [tilespmem:s12], [sflag:$0x2], $0x40, s9, s9, $0xb8;
	[tilespmem:$0x8400] =	vst v63  }
0x5a: {  	_ = 	snop  }
0x5b: {  	[hbm4b:s1+s9] =	stream.indirect.scatter [tilespmem:s14], [sflag:$0x2], $0x40, s18, s9, $0xb8;
	[tilespmem:$0x8400] =	vst v63  }
0x5c: {  	_ = 	snop  }
0x5d: {  	[hbm4b:s1+s9] =	stream.indirect.scatter [tilespmem:s16], [sflag:$0x2], $0x40, s19, s9, $0xb8;
	[tilespmem:$0x8400] =	vst v63  }
0x5e: {  	_ = 	snop  }
0x5f: {  	[hbm4b:s20+s4] =	stream.linear.scatter [tilespmem:s10], [sflag:$0x3], $0x8000, $0x38;
	[tilespmem:$0x8400] =	vst v63  }
0x60: {  	_ =	swait.ge [sflag:s6], $0x8000  }
0x61: {  	[sflag:s6] =	ssyncset.done $0x0  }
0x62: {  	[sflag:s6] =	ssyncadd.s32 $0xFFFF8000  }
0x63: {  	_ =	swait.ge [sflag:s21], $0x2000  }
0x64: {  	[sflag:s21] =	ssyncset.done $0x0  }
0x65: {  	[sflag:s21] =	ssyncadd.s32 $0xFFFFE000  }
0x66: {  	_ =	swait.ge [sflag:s21], $0x2000  }
0x67: {  	[sflag:s21] =	ssyncset.done $0x0  }
0x68: {  	[sflag:s21] =	ssyncadd.s32 $0xFFFFE000  }
.Ltmp1:
0x69: {  	_ =	swait.ge [sflag:s21], $0x2000;
	(pc) =	sbr.rel @p0 .LBB2_1-.Ltmp1, $4  }
0x6a: {  	[sflag:s21] =	ssyncset.done $0x0  }
0x6b: {  	[sflag:s21] =	ssyncadd.s32 $0xFFFFE000  }
0x6c: {  	_ =	swait.ge [sflag:s21], $0x2000  }
0x6d: {  	[sflag:s21] =	ssyncset.done $0x0  }
.LBB2_2:
0x6e: {  	[sflag:s21] =	ssyncadd.s32 $0xFFFFE000  }
0x6f: {  	_ =	sfence.sel $0x180000  }
0x70: {  	[bflag:$0x0] =	sbarrier.arrive $0xFFFF  }
0x71: {  	p0 =	sne.s32 s0, $0x0;
	_ =	strace $0x9000004D  }
0x72: {  	s0 =	sadd.s32 @!p0 $0x100000, s2;
	[bflag:$0x2] =	sbarrier.arrive $0xFFFF  }
0x73: {  	[sflag:s0] =	ssyncadd.tile.s32 @!p0 $0x1;
	_ =	shalt  }
.Lfunc_end2:
_tile_overlayer_lowered:
.L_overlay_start_2:
0x74: {  	(tag) =	ssettag $0x2  }
0x75: {  	s0 =	rddreg [dreg:$0x0];
	s2 =	stileid.u32  }
0x76: {  	s1 =	rddreg [dreg:$0x1];
	p0 =	sne.s32 s2, $0x0  }
0x77: {  	s3 =	rddreg [dreg:$0x2];
	[bflag:$0x3] =	sbarrier.arrive $0xFFFF;
	s2 =	simm.s32 @!p0 $0x1C03  }
0x78: {  	[timem:s3], [sflag:s2] =	dma.local @!p0 [hbm:s0], s1  }
0x79: {  	s0 =	simm.s32 @!p0 $0x3  }
0x7a: {  	_ =	swait.ge @!p0 [sflag:s0], s1  }
0x7b: {  	s1 =	ssub.s32 @!p0 $0x0, s1;
	[sflag:s0] =	ssyncset.done @!p0 $0x0  }
0x7c: {  	[sflag:s0] =	ssyncadd.s32 @!p0 s1  }
0x7d: {  	[bflag:$0x3] =	sbarrier.arrive $0xFFFF  }
0x7e: {  	_ =	shalt  }

// kernel: scatter_offload_async_start
scs
__scs_entry_jumppad:
0x0: {  	(pc) =	sbr.rel $0x88, $3  }
0x1: {  	(tag) =	ssettag $0x0;
	lr =	simm.s32 $0x1  }
0x2: {  	[smem:$0x3F9F] =	sst lr;
	_ =	strace $0xD0000000  }
0x3: {  	_ = 	snop  }
0x4: {  	_ = 	snop  }
0x5: {  	_ = 	snop  }
0x6: {  	_ = 	snop  }
0x7: {  	_ = 	snop  }
__scs_overlays_trampoline_lowered:
0x8: {  	[smem:$0x3FAE] =	sst s0  }
0x9: {  	[smem:$0x3FAF] =	sst s1  }
0xa: {  	[smem:$0x3FB0] =	sst s2  }
0xb: {  	[smem:$0x3FB1] =	sst s3  }
0xc: {  	[smem:$0x3FB2] =	sst s4  }
0xd: {  	[smem:$0x3FB3] =	sst s5  }
0xe: {  	[smem:$0x3FB4] =	sst s6  }
0xf: {  	[smem:$0x3FB5] =	sst s7  }
0x10: {  	[smem:$0x3FB6] =	sst s8  }
0x11: {  	[smem:$0x3FB7] =	sst s9;
	s0 =	simm.s32 @!p0 $0x0  }
0x12: {  	s1 =	sld [smem:$0x3F9D];
	s0 =	simm.s32 @p0 $0x1  }
0x13: {  	[smem:$0x3FB8] =	sst s0;
	s0 =	simm.s32 @!p1 $0x0  }
0x14: {  	s2 =	sld [smem:$0x3F9C];
	s0 =	simm.s32 @p1 $0x1  }
0x15: {  	[smem:$0x3FB9] =	sst s0;
	s0 =	simm.s32 @!p2 $0x0  }
0x16: {  	s3 =	sld [smem:$0x3FDB];
	s0 =	simm.s32 @p2 $0x1  }
0x17: {  	s4 =	simm.s32 $0x1BF5;
	[smem:$0x3FBB] =	sst s0  }
0x18: {  	s0 =	sld [smem:$0x3F9E];
	_ =	swait.ge [sflag:s4], $0x0  }
0x19: {  	s7 =	sld [smem:$0x3F9F]  }
0x1a: {  	s8 =	sadd.s32 $0xFFFFE003, lr  }
0x1b: {  	s9 =	sadd.s32 $0xFFFFFEF7, lr;
	s5 =	simm.s32 $0xFFFFFFFF;
	p2 =	slt.u32 s8, $0xFFFFF086  }
0x1c: {  	p1 =	slt.u32 s9, $0xF7A;
	s5 =	simm.s32 @!p2 $0x0  }
0x1d: {  	s5 =	simm.s32 @p1 $0x1;
	p0 =	seq.s32 s7, s2  }
0x1e: {  	s7 =	smul.u32 @!p0 $0xF7A, s2;
	p2 =	seq.s32 @!p0 s5, $0x0  }
0x1f: {  	s9 =	smul.u32 $0xF7A, s1;
	s8 =	simm.s32 @!p0 $0x1BF5;
	p2 =	por !p2, p0  }
0x20: {  	[sflag:s8] =	ssyncset.s32 @!p0 $0xFFFFF086;
	s6 =	sadd.s32 @!p0 s3, s7;
	s7 =	simm.s32 @!p0 $0x108  }
0x21: {  	s3 =	sadd.s32 s3, s9;
	s6 =	sadd.s32 @!p0 $0x88, s6;
	s7 =	simm.s32 @p2 $0x1082  }
0x22: {  	[simem:s7], [sflag:s8] =	dma.local @!p0 [hbm:s6], $0xF7A  }
0x23: {  	s9 =	sor.u32 $0xD0000000, s2;
	s6 =	simm.s32 $0x108;
	_ =	swait.ge @!p0 [sflag:s8], $0x0  }
0x24: {  	s3 =	sadd.s32 $0x88, s3;
	s6 =	simm.s32 @!p1 $0x1082;
	[sflag:s4] =	ssyncset.s32 $0xFFFFF086  }
0x25: {  	[simem:s6], [sflag:s4] =	dma.local [hbm:s3], $0xF7A  }
0x26: {  	[smem:$0x3F9F] =	sst s1;
	(tag) =	ssettag s2;
	_ =	strace s9  }
0x27: {  	s1 =	sld [smem:$0x3FAF]  }
0x28: {  	s2 =	sld [smem:$0x3FB0]  }
0x29: {  	s4 =	sld [smem:$0x3FB2]  }
0x2a: {  	p0 =	seq.s32 s5, $0x0;
	s5 =	sld [smem:$0x3FB3]  }
0x2b: {  	s6 =	sld [smem:$0x3FB4]  }
0x2c: {  	s7 =	sld [smem:$0x3FB5]  }
0x2d: {  	s3 =	simm.s32 $0x108;
	s8 =	sld [smem:$0x3FB6]  }
0x2e: {  	s3 =	simm.s32 @!p0 $0x1082;
	s9 =	sld [smem:$0x3FB7]  }
0x2f: {  	lr =	sadd.s32 s0, s3;
	s0 =	sld [smem:$0x3FAE]  }
0x30: {  	s3 =	sld [smem:$0x3FB1]  }
0x31: {  	[smem:$0x3FBA] =	sst s10  }
0x32: {  	s10 =	sld [smem:$0x3FB8];
	_ =	sdelay $0x3  }
0x33: {  	p0 =	seq.s32 s10, $0x1;
	s10 =	sld [smem:$0x3FBA];
	_ =	sdelay $0x3  }
0x34: {  	[smem:$0x3FBA] =	sst s10  }
0x35: {  	s10 =	sld [smem:$0x3FB9];
	_ =	sdelay $0x3  }
0x36: {  	p1 =	seq.s32 s10, $0x1;
	s10 =	sld [smem:$0x3FBA];
	_ =	sdelay $0x3  }
0x37: {  	[smem:$0x3FBA] =	sst s10  }
0x38: {  	s10 =	sld [smem:$0x3FBB]  }
0x39: {  	_ = 	snop;
	(pc) =	sbr.ind lr, $3  }
0x3a: {  	_ = 	snop  }
0x3b: {  	_ = 	snop  }
0x3c: {  	p2 =	seq.s32 s10, $0x1;
	s10 =	sld [smem:$0x3FBA]  }
0x3d: {  	_ =	shalt  }
0x3e: {  	_ =	shalt  }
0x3f: {  	_ =	shalt  }
0x40: {  	_ =	shalt  }
0x41: {  	_ =	shalt  }
0x42: {  	_ =	shalt  }
0x43: {  	_ =	shalt  }
0x44: {  	_ =	shalt  }
0x45: {  	_ =	shalt  }
0x46: {  	_ =	shalt  }
0x47: {  	_ =	shalt  }
0x48: {  	_ =	shalt  }
0x49: {  	_ =	shalt  }
0x4a: {  	_ =	shalt  }
0x4b: {  	_ =	shalt  }
0x4c: {  	_ =	shalt  }
0x4d: {  	_ =	shalt  }
0x4e: {  	_ =	shalt  }
0x4f: {  	_ =	shalt  }
0x50: {  	_ =	shalt  }
0x51: {  	_ =	shalt  }
0x52: {  	_ =	shalt  }
0x53: {  	_ =	shalt  }
0x54: {  	_ =	shalt  }
0x55: {  	_ =	shalt  }
0x56: {  	_ =	shalt  }
0x57: {  	_ =	shalt  }
0x58: {  	_ =	shalt  }
0x59: {  	_ =	shalt  }
0x5a: {  	_ =	shalt  }
0x5b: {  	_ =	shalt  }
0x5c: {  	_ =	shalt  }
0x5d: {  	_ =	shalt  }
0x5e: {  	_ =	shalt  }
0x5f: {  	_ =	shalt  }
0x60: {  	_ =	shalt  }
0x61: {  	_ =	shalt  }
0x62: {  	_ =	shalt  }
0x63: {  	_ =	shalt  }
0x64: {  	_ =	shalt  }
0x65: {  	_ =	shalt  }
0x66: {  	_ =	shalt  }
0x67: {  	_ =	shalt  }
0x68: {  	_ =	shalt  }
0x69: {  	_ =	shalt  }
0x6a: {  	_ =	shalt  }
0x6b: {  	_ =	shalt  }
0x6c: {  	_ =	shalt  }
0x6d: {  	_ =	shalt  }
0x6e: {  	_ =	shalt  }
0x6f: {  	_ =	shalt  }
0x70: {  	_ =	shalt  }
0x71: {  	_ =	shalt  }
0x72: {  	_ =	shalt  }
0x73: {  	_ =	shalt  }
0x74: {  	_ =	shalt  }
0x75: {  	_ =	shalt  }
0x76: {  	_ =	shalt  }
0x77: {  	_ =	shalt  }
0x78: {  	_ =	shalt  }
0x79: {  	_ =	shalt  }
0x7a: {  	_ =	shalt  }
0x7b: {  	_ =	shalt  }
0x7c: {  	_ =	shalt  }
0x7d: {  	_ =	shalt  }
0x7e: {  	_ =	shalt  }
0x7f: {  	_ =	shalt  }
0x80: {  	_ =	shalt  }
0x81: {  	_ =	shalt  }
0x82: {  	_ =	shalt  }
0x83: {  	_ =	shalt  }
0x84: {  	_ =	shalt  }
0x85: {  	_ =	shalt  }
0x86: {  	_ =	shalt  }
0x87: {  	_ =	shalt  }
.Lfunc_end0:
.L_simem_size_0:
called_computation_lowered:
.L_overlay_start_0:
0x88: {  	s0 =	sld [smem:$0x3FD9]  }
0x89: {  	s1 =	sld [smem:$0x3FFE];
	_ =	sdelay $0x3  }
0x8a: {  	s0 =	sadd.s32 s1, s0  }
0x8b: {  	[smem:$0x3FC6] =	sst s0  }
0x8c: {  	_ = 	snop  }
0x8d: {  	s0 =	sld [smem:$0x3FD0];
	_ =	sdelay $0x2  }
0x8e: {  	s13 =	simm.s32 $0xA;
	s2 =	simm.s32 $0x10  }
0x8f: {  	[smem:s2], [sflag:s13] =	dma.local [hbm:s0], $0x1  }
0x90: {  	_ =	swait.eq [sflag:s13], $0x1  }
0x91: {  	[sflag:s13] =	ssyncset.done $0x0  }
0x92: {  	[sflag:s13] =	ssyncadd.s32 $0xFFFFFFFF  }
0x93: {  	s14 =	sld [smem:$0x11];
	(tm) =	ssettm $0x1  }
0x94: {  	s15 =	sld [smem:$0x3FFB];
	_ =	sdelay $0x3  }
0x95: {  	_ =	strace s15  }
0x96: {  	s1 =	sld [smem:$0x3FFC];
	_ =	sdelay $0x3  }
0x97: {  	_ =	strace s1  }
0x98: {  	s1 =	sld [smem:$0x3FFD];
	_ =	sdelay $0x3  }
0x99: {  	_ =	strace s1  }
0x9a: {  	_ =	strace $0x8FFFFFFF  }
0x9b: {  	s16 =	sld [smem:$0x3FDB];
	_ =	sdelay $0x1  }
0x9c: {  	s17 =	simm.s32 $_scs_section_size  }
0x9d: {  	s3 =	simm.s32 $_size__tile_overlayer_lowered;
	s4 =	simm.s32 $_tile_overlayer_lowered  }
0x9e: {  	s20 =	simm.s32 $0x1BFF;
	s19 =	sshll.u32 s4, $0x1;
	s1 =	sadd.s32 s17, s16  }
0x9f: {  	s5 =	simm.s32 $0x0;
	s18 =	sshll.u32 s3, $0x1;
	s3 =	sadd.s32 s19, s1  }
0xa0: {  	[timem:s5], [sflag:s20] =	dma.local [hbm:s3], s18  }
0xa1: {  	_ =	swait.ge [sflag:s20], s18  }
0xa2: {  	s2 =	ssub.s32 $0x0, s18;
	[sflag:s20] =	ssyncset.done $0x0  }
0xa3: {  	[sflag:s20] =	ssyncadd.s32 s2;
	_ =	sdelay $0x1  }
0xa4: {  	s21 =	simm.s32 $0x1B8B  }
0xa5: {  	_ =	swait.ge [sflag:s21], $0x1  }
0xa6: {  	[sflag:s21] =	ssyncset.done $0x0  }
0xa7: {  	s23 =	simm.s32 $0x1B8E;
	s22 =	sld [smem:$0x3FFE];
	[sflag:s21] =	ssyncadd.s32 $0xFFFFFFFF  }
0xa8: {  	s24 =	simm.s32 $execute0_lowered;
	[smem:$0x3FD2] =	sst s23  }
0xa9: {  	s3 =	sshll.u32 s24, $0x1;
	_ =	strace $0x80000046;
	[dreg:$0x1] =	wrdreg $0xFFFFFFFF  }
0xaa: {  	s25 =	simm.s32 $_size_execute0_lowered;
	s1 =	sadd.s32 s1, s3;
	[dreg:$0x0] =	wrdreg $0x0  }
0xab: {  	s3 =	sshll.u32 s25, $0x1;
	[dreg:$0x2] =	wrdreg s1  }
0xac: {  	[dreg:$0x3] =	wrdreg s3  }
0xad: {  	[dreg:$0x4] =	wrdreg $0xC0  }
0xae: {  	_ =	task [dreg:s5], $0x5FFFF  }
0xaf: {  	[dreg:$0x1] =	wrdreg $0xFFFFFFFF  }
0xb0: {  	[dreg:$0x0] =	wrdreg $0x60  }
0xb1: {  	[dreg:$0x2] =	wrdreg s14  }
0xb2: {  	[dreg:$0x3] =	wrdreg s22  }
0xb3: {  	[dreg:$0x4] =	wrdreg $0x9  }
0xb4: {  	_ =	task.clear_ibuf [dreg:s5], $0x5FFFF;
	_ =	strace $0x90000046  }
0xb5: {  	s26 =	simm.s32 $0x9;
	_ =	strace $0x80000048  }
0xb6: {  	_ =	swait.ge [sflag:s26], $0x1  }
0xb7: {  	[sflag:s26] =	ssyncadd.s32 $0xFFFFFFFF  }
0xb8: {  	_ =	strace $0x90000048  }
0xb9: {  	_ =	sfence  }
0xba: {  	s28 =	sld [smem:$0x0];
	_ =	sdelay $0x1  }
0xbb: {  	s29 =	srdreg.scid  }
0xbc: {  	s30 =	sshll.u32 s29, $0xD;
	s31 =	sshrl.u32 s29, $0x2  }
0xbd: {  	s2 =	sand.u32 $0x4000, s30;
	s1 =	sand.u32 $0x1, s29;
	s0 =	sadd.s32 s31, s28  }
0xbe: {  	s1 =	sor.u32 s2, s1;
	s0 =	sshll.u32 s0, $0x11  }
0xbf: {  	s0 =	sor.u32 s0, s1  }
0xc0: {  	s0 =	sadd.s32 $0x8F2B, s0  }
0xc1: {  	[sflag:s0] =	ssyncadd.remote.s32 $0x1  }
0xc2: {  	_ =	sfence.sel $0xFFFF  }
0xc3: {  	[dreg:$0x0] =	wrdreg $0xFFFFFFFF;
	(pc) =	sbr.abs _section_cstart, $3  }
0xc4: {  	[dreg:$0x1] =	wrdreg $0xFFFFFFFF  }
0xc5: {  	_ =	task.clear_ibuf [dreg:s5], $0x2FFFF;
	_ =	strace $0x9FFFFFFF  }
0xc6: {  	(tm) =	ssettm $0x7FFFFFFF  }
0xc7: {  	_ =	shalt  }
tec
execute0_lowered:
.L_overlay_start_1:
0x0: {  	(tag) =	ssettag $0x1  }
0x1: {  	s1 =	rddreg [dreg:$0x0]  }
0x2: {  	s0 =	rddreg [dreg:$0x1];
	_ =	strace $0x80000047;
	s3 =	simm.s32 $0x1  }
0x3: {  	v1 =	vimm.s32 $0xFFFFFFFF;
	[sflag:s3] =	ssyncpa.u1 $0x0  }
0x4: {  	[tilespmem:$0x10] =	vst v1  }
0x5: {  	v0 =	vimm.s32 $0x80000000;
	[tilespmem:$0x20] =	vst v1  }
0x6: {  	[tilespmem:$0x30] =	vst v0  }
0x7: {  	s2 =	simm.s32 $0x2;
	[tilespmem:$0x40] =	vst v0  }
0x8: {  	s6 =	simm.s32 $0x7;
	s26 =	stileid.u32;
	s7 =	simm.s32 $0x8;
	[tilespmem:$0x50] =	vst v0  }
0x9: {  	s31 =	simm.s32 $0x9;
	s14 =	simm.s32 $0x0;
	s15 =	simm.s32 $0x100;
	[tilespmem:$0x60] =	vst v1  }
0xa: {  	s19 =	simm.s32 $0x2500;
	s20 =	simm.s32 $0xF;
	s21 =	simm.s32 $0x50;
	[tilespmem:$0x70] =	vst v1  }
0xb: {  	s22 =	simm.s32 $0x10FF;
	s23 =	simm.s32 $0x20;
	s24 =	simm.s32 $0x30;
	[tilespmem:$0x80] =	vst v1  }
0xc: {  	s25 =	simm.s32 $0x20FF;
	s30 =	simm.s32 $0x0;
	s29 =	simm.s32 $0x0;
	v1 =	vimm.s32 $0x0;
	[tilespmem:$0xB0] =	vst v0  }
.Ltmp0:
0xd: {  	s4 =	sadd.s32 $0x1400, s0;
	s5 =	sadd.s32 $0x1C00, s0;
	[tilespmem:$0x90] =	vst v1;
	(pc) =	sbr.rel .LBB2_1-.Ltmp0, $4  }
0xe: {  	s8 =	sshll.u32 s26, $0xA;
	s10 =	sshll.u32 s26, $0x1;
	[tilespmem:$0xA0] =	vst v1;
	[sflag:s2] =	ssyncpa.u1 $0x0  }
0xf: {  	s12 =	sshllo.u32 s26, $0x1;
	s26 =	simm.s32 $0x80;
	[sflag:s6] =	ssyncpa.u1 $0x0  }
0x10: {  	vm0 =	vmmov $0xffff;
	v2 =	vlaneseq.u32;
	s9 =	sadd.s32 $0x400, s8;
	s11 =	sor.u32 $0x81, s10;
	[sflag:s7] =	ssyncpa.u1 $0x0  }
0x11: {  	vm1 =	vmxor vm1, vm1;
	vm2 =	vmmov $0x1;
	vm3 =	vcmask $0x3F3C;
	s13 =	sor.u32 $0x80, s10;
	s28 =	smov.u32 s8;
	[sflag:s31] =	ssyncpa.u1 $0x0  }
.LBB2_3:
0x12: {  	s0 =	sshrl.u32 s28, $0x3  }
0x13: {  	s2 =	sand.u32 $0x7, s28;
	s0 =	sadd.s32 s4, s0  }
0x14: {  	[tilespmem:s15], [sflag:$0x7] =	stream.linear.gather [hbm4b:s0+s2], $0x400, $0x38;
	[tilespmem:$0x2520] =	vst v63  }
.LBB2_4:
0x15: {  	s0 =	sadd.s32 $0x400, s28  }
0x16: {  	s2 =	smov.u32 s8;
	s29 =	sadd.s32 $0x1, s29;
	p0 =	slt.s32 s0, s9  }
0x17: {  	s2 =	smov.u32 @p0 s0;
	p0 =	sne.s32 s29, $0x4  }
.Ltmp1:
0x18: {  	_ = 	snop;
	(pc) =	sbr.rel @!p0 .LBB2_13-.Ltmp1, $2  }
0x19: {  	_ =	sdelay $0x2  }
0x1a: {  	s30 =	smov.u32 s28;
	s28 =	smov.u32 s2  }
.LBB2_1:
0x1b: {  	p0 =	sgt.s32 s29, $0x1  }
.Ltmp2:
0x1c: {  	_ = 	snop;
	(pc) =	sbr.rel @p0 .LBB2_11-.Ltmp2, $1  }
0x1d: {  	_ =	sdelay $0x3  }
0x1e: {  	p0 =	seq.s32 s29, $0x0  }
.Ltmp3:
0x1f: {  	_ = 	snop;
	(pc) =	sbr.rel @p0 .LBB2_3-.Ltmp3, $1  }
0x20: {  	_ =	sdelay $0x3  }
0x21: {  	_ =	swait.ge [sflag:s6], $0x400  }
0x22: {  	[sflag:s6] =	ssyncset.done $0x0  }
0x23: {  	[sflag:s6] =	ssyncadd.s32 $0xFFFFFC00;
	(ifvalue) =	ssetifvalue $0xFFFFFFFF;
	v3 =	vld.msk [tilespmem:s15+$0x0 ss:$0x1], $0xffff;
	_ =	sdelay $0x4  }
0x24: {  	v4 =	vperm.xlane v3, v1  }
0x25: {  	vm4 =	vlt.u32 v3, $0xF4400  }
0x26: {  	v3 =	vnsel vm4, $0xFFFFFFFE, v3;
	vm4 =	vlt.u32 v4, $0xF4400  }
0x27: {  	[tilespmem:$0x70] =	vst v3;
	v3 =	vnsel vm4, $0xFFFFFFFE, v4  }
0x28: {  	s17 =	simm.s32 $0x4F0;
	[tilespmem:$0x80] =	vst v3  }
0x29: {  	v3 =	vld.msk [tilespmem:s17+$0x0 ss:$0x1], $0xffff;
	_ =	sdelay $0x4  }
0x2a: {  	(xrf1) =	vunique.msk.u32 $0xffff, v3;
	_ =	sdelay $0xd  }
0x2b: {  	v4 =	vimm.s32 $0xFFFFFFFF;
	v5, _, _ =	vpop (xrf1)  }
0x2c: {  	vm5 =	vne.s32 v3, v4;
	vm4 =	veq.s32 v5, v2  }
0x2d: {  	vm6 =	vlt.u32 v3, $0xF4400;
	vm4 =	vmand vm5, vm4  }
0x2e: {  	vm4 =	vmand vm6, vm4  }
0x2f: {  	v4 =	vnsel vm4, $0xFFFFFFFF, v3;
	_ =	sdelay $0x3  }
0x30: {  	s0 =	simm.s32 $0x10F0;
	(ifvalue) =	ssetifvalue $0xFFFFFFFF  }
0x31: {  	v3 =	vperm.xlane v3, v1;
	[tilespmem:s0], [sflag:$0x8] =	stream.indirect_vreg.gather [hbm4b:s1+s14], $0x1, v4, vm0, $0x4038;
	v4 =	vnsel vm6, $0xFFFFFFFE, v4;
	[tilespmem:$0x2520] =	vst v63  }
0x32: {  	s2 =	simm.s32 $0x0;
	s16 =	simm.s32 $0x4E0;
	[tilespmem:s17+$0x0] =	vst v4  }
.LBB2_6:
0x33: {  	v4 =	vld.msk [tilespmem:s16+$0x0 ss:$0x1], $0xffff;
	s2 =	sadd.s32 $0x10, s2;
	v5 =	vmov v3;
	s17 =	smov.u32 s16  }
0x34: {  	p0 =	slt.u32 s2, $0x3F0;
	_ =	sdelay $0x4  }
0x35: {  	v3 =	vperm.xlane v4, v1;
	(xrf1) =	vunique.msk.u32 $0xffff, v4;
	_ =	sdelay $0xd  }
0x36: {  	v6, _, _ =	vpop (xrf1)  }
0x37: {  	vm5 =	vne.s32 v4, v5;
	vm4 =	veq.s32 v6, v2  }
0x38: {  	vm6 =	vlt.u32 v4, $0xF4400;
	vm4 =	vmand vm5, vm4  }
0x39: {  	vm4 =	vmand vm6, vm4  }
0x3a: {  	v4 =	vnsel vm4, $0xFFFFFFFF, v4  }
.Ltmp4:
0x3b: {  	v5 =	vnsel vm6, $0xFFFFFFFE, v4;
	(pc) =	sbr.rel @p0 .LBB2_6-.Ltmp4, $3  }
0x3c: {  	_ =	sdelay $0x1  }
0x3d: {  	s16 =	sadd.s32 $0xFFFFFFF0, s16;
	s0 =	sadd.s32 $0xFFFFFFF0, s0;
	(ifvalue) =	ssetifvalue $0xFFFFFFFF  }
0x3e: {  	[tilespmem:s0], [sflag:$0x8] =	stream.indirect_vreg.gather [hbm4b:s1+s14], $0x1, v4, vm0, $0x4038;
	[tilespmem:s17+$0x0] =	vst v5  }
.Ltmp5:
0x3f: {  	(pc) =	sbr.rel .LBB2_4-.Ltmp5, $4  }
0x40: {  	_ = 	snop  }
0x41: {  	s0 =	sshrl.u32 s30, $0x3  }
0x42: {  	s2 =	simm.s32 $0x1500;
	s0 =	sadd.s32 s5, s0  }
0x43: {  	[tilespmem:s2], [sflag:$0x8] =	stream.linear.gather [hbm:s0], $0x400, $0x38;
	[tilespmem:$0x2520] =	vst v63  }
.LBB2_11:
0x44: {  	p0 =	seq.s32 s29, $0x2  }
.Ltmp6:
0x45: {  	_ = 	snop;
	(pc) =	sbr.rel @!p0 .LBB2_12-.Ltmp6, $1  }
0x46: {  	_ =	sdelay $0x3  }
0x47: {  	_ =	swait.ge [sflag:s7], $0x800  }
0x48: {  	[sflag:s7] =	ssyncset.done $0x0  }
0x49: {  	s0 =	simm.s32 $0x4FF;
	[sflag:s7] =	ssyncadd.s32 $0xFFFFF800  }
0x4a: {  	[spmem:s11] =	stream.linear.scatter [tilespmem:s0], [sflag:$0x1], $0x1, $0x38;
	[tilespmem:$0x2520] =	vst v63  }
0x4b: {  	_ =	swait.ge [sflag:s3], $0x1  }
0x4c: {  	[sflag:s3] =	ssyncset.done $0x0  }
0x4d: {  	[sflag:s3] =	ssyncadd.s32 $0xFFFFFFFF  }
0x4e: {  	v4 =	vld [tilespmem:$0x10]  }
0x4f: {  	v5 =	vld [tilespmem:$0x70]  }
0x50: {  	v3 =	vld [tilespmem:$0x80];
	_ =	sdelay $0x2  }
0x51: {  	(v2sf) =	vpush v4, $0x0  }
0x52: {  	(v2sf) =	vpush v5, $0x0  }
0x53: {  	(v2sf) =	vpush v3, $0x0;
	_ =	sdelay $0xc  }
0x54: {  	s18 =	spop (v2sf)  }
0x55: {  	s2 =	spop (v2sf)  }
0x56: {  	s30 =	spop (v2sf)  }
0x57: {  	p0 =	seq.s32 s18, s2;
	p1 =	seq.s32 s30, s18  }
0x58: {  	p1 =	por p0, p1  }
0x59: {  	s2 =	simm.s32 $0x10;
	v4 =	vpsel p1, $0xFFFFFFFF, v4  }
0x5a: {  	[tilespmem:s2+$0x0] =	vst.msk $0x1, v4  }
0x5b: {  	v4 =	vld [tilespmem:$0x30]  }
0x5c: {  	v5 =	vld [tilespmem:$0x1500]  }
0x5d: {  	v6 =	vld [tilespmem:$0x40];
	_ =	sdelay $0x3  }
0x5e: {  	vm4 =	vmmov vm1;
	vm6 =	vmmov vm2;
	vm5 =	vgt.s32 v4, v5  }
0x5f: {  	s16 =	simm.s32 $0x1500;
	vm4 =	vmmov @p0 vm2;
	v5 =	vsel vm5, v4, v5;
	vm5 =	vgt.s32 v4, v6  }
0x60: {  	vm6 =	vmmov @p1 vm1;
	v4 =	vsel vm5, v4, v6;
	[tilespmem:s16+$0x0] =	vst.msk vm4, v5  }
0x61: {  	[tilespmem:s19+$0x0] =	vst.msk vm6, v4  }
0x62: {  	v4 =	vld [tilespmem:$0x10F0];
	_ =	sdelay $0x4  }
0x63: {  	v4 =	vshift.insert v4, v1, s20;
	_ =	sdelay $0x1  }
0x64: {  	v5 =	vimm.s32 $0x80000000;
	[tilespmem:s21+$0x0] =	vst.msk $0x1, v4  }
0x65: {  	[tilespmem:s22+$0x0] =	vst.msk $0x1, v5  }
0x66: {  	v4 =	vld [tilespmem:$0x4F0];
	_ =	sdelay $0x4  }
0x67: {  	v4 =	vshift.insert v4, v1, s20;
	_ =	sdelay $0x1  }
0x68: {  	[tilespmem:s23+$0x0] =	vst.msk $0x1, v4  }
0x69: {  	v6 =	vld [tilespmem:s16+$0x0]  }
0x6a: {  	s17 =	simm.s32 $0x100  }
0x6b: {  	v7 =	vld [tilespmem:s17+$0x0];
	_ =	sdelay $0x2  }
0x6c: {  	vm4 =	vgt.s32 v6, v5  }
0x6d: {  	v5 =	vsel vm4, v6, v5  }
0x6e: {  	vm4 =	vne.s32 v7, $0xFFFFFFFF;
	v5 =	vxor.u32 $0x80000000, v5  }
0x6f: {  	(xrf0) =	vmax.seg.scan.u32 vm4, v5  }
0x70: {  	s18 =	simm.s32 $0xD00  }
0x71: {  	v8 =	vld [tilespmem:s18+$0x0]  }
0x72: {  	v6 =	vld [tilespmem:$0xA0];
	_ =	sdelay $0x2  }
0x73: {  	v5 =	vperm.xlane v4, v1;
	v9, _, _ =	vpop (xrf0)  }
0x74: {  	vm6 =	veq.s32 v7, v3;
	v9 =	vxor.u32 $0x80000000, v9  }
0x75: {  	vm8 =	veq.s32 v7, v5;
	vm5 =	veq.s32 v6, $0x1;
	vm7 =	vgt.s32 v9, v8  }
0x76: {  	vm8 =	vmor vm8, vm6;
	v6 =	vsel vm7, v9, v8;
	vm7 =	vgt.u32 v7, $0xFFFFFFFD  }
0x77: {  	v10 =	vld [tilespmem:$0x90];
	vm9 =	vmand vm4, vm3;
	vm4 =	vmor vm5, vm6;
	vm5 =	vmor vm8, vm7  }
0x78: {  	v8 =	vsel vm5, $0xFFFFFFFF, v7;
	_ =	sdelay $0x1  }
0x79: {  	s31 =	simm.s32 $0x1D00  }
0x7a: {  	s0 =	simm.s32 $0x0;
	s2 =	simm.s32 $0x1510;
	s16 =	simm.s32 $0x110;
	v11 =	vsel vm9, $0x80000000, v9;
	v6 =	vsel vm6, v9, v6  }
0x7b: {  	s17 =	simm.s32 $0x1D10;
	s18 =	simm.s32 $0xD10;
	[tilespmem:s31+$0x0] =	vst v6;
	v6 =	vsel vm6, v9, v10;
	v7 =	vshift.insert v11, v0, s20;
	(ifvalue) =	ssetifvalue $0xFFFFFFFF  }
.LBB2_9:
0x7c: {  	[hbm4b:s1+s14] =	stream.indirect_vreg.scatter [tilespmem:s31], [sflag:$0x2], $0x1, v8, vm0, $0x4038;
	[tilespmem:$0x2520] =	vst v63  }
0x7d: {  	s0 =	sadd.s32 $0x10, s0;
	s31 =	smov.u32 s17;
	v8 =	vld [tilespmem:s2+$0x0]  }
0x7e: {  	p0 =	slt.u32 s0, $0x3F0  }
0x7f: {  	v9 =	vld [tilespmem:s16+$0x0];
	_ =	sdelay $0x2  }
0x80: {  	vm5 =	vgt.s32 v8, v7  }
0x81: {  	v7 =	vsel vm5, v8, v7  }
0x82: {  	vm5 =	vne.s32 v9, $0xFFFFFFFF;
	v7 =	vxor.u32 $0x80000000, v7  }
0x83: {  	(xrf0) =	vmax.seg.scan.u32 vm5, v7;
	_ =	sdelay $0x2  }
0x84: {  	v7 =	vld [tilespmem:s18+$0x0];
	_ =	sdelay $0x1  }
0x85: {  	vm6 =	veq.s32 v9, v3;
	vm7 =	veq.s32 v9, v5  }
0x86: {  	vm8 =	vgt.u32 v9, $0xFFFFFFFD;
	vm4 =	vmor vm4, vm6;
	vm7 =	vmor vm7, vm6;
	v8, _, _ =	vpop (xrf0)  }
0x87: {  	vm5 =	vmand vm5, vm3;
	vm7 =	vmor vm7, vm8;
	v10 =	vxor.u32 $0x80000000, v8  }
.Ltmp7:
0x88: {  	v8 =	vsel vm7, $0xFFFFFFFF, v9;
	vm7 =	vgt.s32 v10, v7;
	v9 =	vsel vm5, $0x80000000, v10;
	(pc) =	sbr.rel @p0 .LBB2_9-.Ltmp7, $4  }
0x89: {  	v6 =	vsel vm6, v10, v6;
	v11 =	vsel vm7, v10, v7;
	v7 =	vshift.insert v9, v0, s20  }
0x8a: {  	v9 =	vsel vm6, v10, v11  }
0x8b: {  	s2 =	sadd.s32 $0x10, s2;
	s16 =	sadd.s32 $0x10, s16;
	[tilespmem:s17+$0x0] =	vst v9  }
0x8c: {  	s18 =	sadd.s32 $0x10, s18;
	s17 =	sadd.s32 $0x10, s17;
	(ifvalue) =	ssetifvalue $0xFFFFFFFF  }
0x8d: {  	_ =	sdelay $0x3  }
0x8e: {  	[hbm4b:s1+s14] =	stream.indirect_vreg.scatter [tilespmem:s31], [sflag:$0x2], $0x1, v8, vm0, $0x4038;
	[tilespmem:$0x2520] =	vst v63  }
0x8f: {  	v3 =	vld [tilespmem:$0x20F0];
	_ =	sdelay $0x4  }
0x90: {  	v3 =	vshift.insert v3, v1, s20;
	_ =	sdelay $0x1  }
0x91: {  	[tilespmem:s24+$0x0] =	vst.msk $0x1, v3  }
0x92: {  	v3 =	vsel vm4, $0x1, v1;
	[tilespmem:$0x90] =	vst v6  }
0x93: {  	[tilespmem:$0xA0] =	vst v3  }
0x94: {  	[spmem:s12] =	stream.linear.scatter [tilespmem:s25], [sflag:$0x1], $0x1, $0x38;
	[tilespmem:$0x2520] =	vst v63  }
0x95: {  	v3 =	vmctz.xlane vm4;
	_ =	swait.ge [sflag:s3], $0x1  }
0x96: {  	(v2sf) =	vpush v4, $0x0  }
0x97: {  	(v2sf) =	vpush v3, $0x0;
	_ =	sdelay $0xd  }
0x98: {  	s0 =	spop (v2sf)  }
0x99: {  	s2 =	spop (v2sf)  }
0x9a: {  	[sflag:s3] =	ssyncset.done $0x0;
	p0 =	sne.s32 s30, s0;
	p1 =	slt.s32 s2, $0xF  }
0x9b: {  	[sflag:s3] =	ssyncadd.s32 $0xFFFFFFFF;
	v3 =	vimm.s32 @!p0 $0xFFFFFFFF;
	s2 =	simm.s32 @!p1 $0xF  }
0x9c: {  	[tilespmem:$0x80] =	vst @!p0 v3;
	s31 =	sadd.s32 $0x90, s2  }
0x9d: {  	[spmem:s10] =	stream.linear.scatter [tilespmem:s31], [sflag:$0x1], $0x1, $0x38;
	[tilespmem:$0x2520] =	vst v63  }
0x9e: {  	_ =	swait.ge [sflag:s3], $0x1  }
0x9f: {  	[sflag:s3] =	ssyncset.done $0x0  }
0xa0: {  	[sflag:s3] =	ssyncadd.s32 $0xFFFFFFFF  }
0xa1: {  	[spmem:s13] =	stream.linear.scatter [tilespmem:s26], [sflag:$0x1], $0x1, $0x38;
	[tilespmem:$0x2520] =	vst v63  }
0xa2: {  	_ =	swait.ge [sflag:s3], $0x1  }
0xa3: {  	[sflag:s3] =	ssyncset.done $0x0  }
0xa4: {  	[sflag:s3] =	ssyncadd.s32 $0xFFFFFFFF;
	(ifvalue) =	ssetifvalue $0xFFFFFFFF;
	v3 =	vld [tilespmem:$0x10];
	_ =	sdelay $0x3  }
.Ltmp8:
0xa5: {  	_ = 	snop;
	(pc) =	sbr.rel .LBB2_4-.Ltmp8, $3  }
0xa6: {  	_ =	sdelay $0x1  }
0xa7: {  	(ifvalue) =	ssetifvalue $0xFFFFFFFF  }
0xa8: {  	[hbm4b:s1+s14] =	stream.indirect_vreg.scatter [tilespmem:s19], [sflag:$0x9], $0x1, v3, vm0, $0x4038;
	[tilespmem:$0x2520] =	vst v63  }
.LBB2_12:
0xa9: {  	s0 =	simm.s32 $0x2  }
0xaa: {  	_ =	swait.ge [sflag:s0], $0x400  }
0xab: {  	[sflag:s0] =	ssyncset.done $0x0  }
0xac: {  	s31 =	simm.s32 $0x9;
	[sflag:s0] =	ssyncadd.s32 $0xFFFFFC00  }
0xad: {  	_ =	swait.ge [sflag:s31], $0x10  }
0xae: {  	[sflag:s31] =	ssyncset.done $0x0  }
0xaf: {  	[sflag:s31] =	ssyncadd.s32 $0xFFFFFFF0  }
.LBB2_13:
0xb0: {  	_ =	sfence.sel $0x180000  }
0xb1: {  	s0 =	simm.s32 $0x7;
	[bflag:$0x0] =	sbarrier.arrive $0xFFFF  }
0xb2: {  	s26 =	simm.s32 $0x8;
	[sflag:s0] =	ssyncpa.u1 $0x1  }
0xb3: {  	s28 =	simm.s32 $0x9;
	[sflag:s26] =	ssyncpa.u1 $0x1  }
0xb4: {  	[sflag:s28] =	ssyncpa.u1 $0x1  }
0xb5: {  	_ =	sfence.stream.spmem  }
0xb6: {  	s29 =	simm.s32 $0x3;
	[bflag:$0x0] =	sbarrier.arrive $0xFFFF  }
0xb7: {  	s30 =	simm.s32 $0x4;
	[sflag:s29] =	ssyncpa.u1 $0x1  }
0xb8: {  	s31 =	simm.s32 $0x3C;
	s2 =	stileid.u32;
	[sflag:s30] =	ssyncpa.u1 $0x1  }
0xb9: {  	p0 =	sne.s32 s2, $0x0;
	[sflag:s31] =	ssyncpa.u1 $0x1  }
0xba: {  	s0 =	simm.s32 @p0 $0x1;
	_ =	sfence @p0  }
0xbb: {  	[sflag:s0] =	ssyncpa.u1 @p0 $0x1;
	s0 =	simm.s32 @p0 $0x2  }
0xbc: {  	[sflag:s0] =	ssyncpa.u1 @p0 $0x1  }
0xbd: {  	_ =	strace @p0 $0x90000047  }
0xbe: {  	[bflag:$0x2] =	sbarrier.arrive @p0 $0xFFFF  }
0xbf: {  	_ =	shalt @p0  }
.LBB2_14:
0xc0: {  	_ =	sfence.stream.spmem;
	s0 =	simm.s32 $0x5  }
0xc1: {  	s2 =	simm.s32 $0x80;
	s3 =	simm.s32 $0xC0;
	[sflag:s0] =	ssyncpa.u1 $0x0  }
0xc2: {  	[tilespmem:s3], [sflag:$0x5] =	stream.linear.gather [spmem:s2], $0x20, $0x38;
	[tilespmem:$0x2520] =	vst v63  }
0xc3: {  	s30 =	simm.s32 $0xE0;
	s2 =	simm.s32 $0x0  }
0xc4: {  	[tilespmem:s30], [sflag:$0x5] =	stream.linear.gather [spmem:s2], $0x20, $0x38;
	[tilespmem:$0x2520] =	vst v63  }
.Ltmp9:
0xc5: {  	_ = 	snop;
	(pc) =	sbr.rel .LBB2_15-.Ltmp9, $4  }
0xc6: {  	_ =	swait.ge [sflag:s0], $0x40  }
0xc7: {  	[sflag:s0] =	ssyncset.done $0x0  }
0xc8: {  	s31 =	simm.s32 $0x6;
	[sflag:s0] =	ssyncadd.s32 $0xFFFFFFC0  }
0xc9: {  	s3 =	simm.s32 $0x0;
	[sflag:s31] =	ssyncpa.u1 $0x0  }
.LBB2_20:
0xca: {  	p0 =	sgt.u32 s4, $0xF43FF  }
0xcb: {  	s0 =	sshrl.u32 @!p0 s4, $0x3  }
0xcc: {  	s4 =	sand.u32 @!p0 $0x7, s4;
	s5 =	simm.s32 @!p0 $0xB0;
	s0 =	sadd.s32 @!p0 s1, s0  }
0xcd: {  	[tilespmem:s5], [sflag:$0x6] =	stream.linear.gather @!p0 [hbm4b:s0+s4], $0x1, $0x38;
	[tilespmem:$0x2520] =	vst v63  }
0xce: {  	s0 =	simm.s32 @!p0 $0x6  }
0xcf: {  	_ =	swait.ge @!p0 [sflag:s0], $0x1  }
0xd0: {  	[sflag:s0] =	ssyncset.done @!p0 $0x0  }
0xd1: {  	[sflag:s0] =	ssyncadd.s32 @!p0 $0xFFFFFFFF  }
0xd2: {  	v1 =	vld.msk @!p0 [tilespmem:$0xB0], $0x1  }
0xd3: {  	v2 =	vld.msk @!p0 [tilespmem:s3+$0xE0], $0x1;
	_ =	sdelay $0x4  }
0xd4: {  	vm0 =	vgt.s32 @!p0 v2, v1  }
0xd5: {  	v1 =	vsel @!p0 vm0, v2, v1  }
0xd6: {  	[tilespmem:s3+$0xE0] =	vst.msk @!p0 $0x1, v1  }
0xd7: {  	[tilespmem:s2+$0xC0] =	vst.msk $0x1, v0  }
0xd8: {  	v0 =	vld.msk [tilespmem:s3+$0xE0], $0x1;
	_ =	sdelay $0x4  }
0xd9: {  	[tilespmem:s2+$0xE0] =	vst.msk $0x1, v0;
	s2 =	sadd.s32 $0x1, s2  }
.LBB2_22:
0xda: {  	s3 =	sadd.s32 $0x1, s3  }
0xdb: {  	p0 =	sne.s32 s3, $0x20  }
.Ltmp10:
0xdc: {  	_ = 	snop;
	(pc) =	sbr.rel @!p0 .LBB2_23-.Ltmp10, $1  }
0xdd: {  	_ =	sdelay $0x3  }
.LBB2_15:
0xde: {  	v0 =	vld.msk [tilespmem:s3+$0xC0], $0x1;
	_ =	sdelay $0x4  }
0xdf: {  	(v2sf) =	vpush v0, $0x0;
	_ =	sdelay $0xe  }
0xe0: {  	s4 =	spop (v2sf)  }
0xe1: {  	p0 =	seq.s32 s4, $0xFFFFFFFF  }
.Ltmp11:
0xe2: {  	_ = 	snop;
	(pc) =	sbr.rel @p0 .LBB2_22-.Ltmp11, $1  }
0xe3: {  	_ =	sdelay $0x3  }
0xe4: {  	p0 =	slt.s32 s2, $0x1  }
.Ltmp12:
0xe5: {  	_ = 	snop;
	(pc) =	sbr.rel @p0 .LBB2_20-.Ltmp12, $1  }
0xe6: {  	_ =	sdelay $0x3  }
0xe7: {  	s0 =	simm.s32 $0xC0;
	p0 =	por $0x0, $0x0  }
0xe8: {  	v1 =	vld.msk @!p0 [tilespmem:s0+$0x0], $0x1;
	_ =	sdelay $0x4  }
0xe9: {  	(v2sf) =	vpush @!p0 v1, $0x0;
	_ =	sdelay $0xd  }
0xea: {  	p2 =	sne.s32 s2, $0x1  }
.Ltmp13:
0xeb: {  	s5 =	spop @!p0 (v2sf);
	(pc) =	sbr.rel @!p2 .LBB2_19-.Ltmp13, $4  }
0xec: {  	p1 =	seq.s32 @!p0 s4, s5  }
0xed: {  	s5 =	simm.s32 $0x0;
	p1 =	por !p1, p0  }
0xee: {  	s7 =	simm.s32 $0xFFFFFFFF;
	s5 =	simm.s32 @p1 $0xFFFFFFFF  }
0xef: {  	s6 =	simm.s32 $0x1;
	s5 =	smov.u32 @p0 s7  }
.LBB2_18:
0xf0: {  	s7 =	smov.u32 s5;
	p0 =	sne.s32 s5, $0xFFFFFFFF  }
0xf1: {  	s0 =	sadd.s32 $0x1, s0;
	s5 =	smov.u32 s6;
	s6 =	sadd.s32 $0x1, s6  }
0xf2: {  	p1 =	sne.s32 s2, s6;
	v1 =	vld.msk @!p0 [tilespmem:s0+$0x0], $0x1;
	_ =	sdelay $0x4  }
0xf3: {  	(v2sf) =	vpush @!p0 v1, $0x0;
	_ =	sdelay $0xe  }
.Ltmp14:
0xf4: {  	s8 =	spop @!p0 (v2sf);
	(pc) =	sbr.rel @p1 .LBB2_18-.Ltmp14, $4  }
0xf5: {  	p2 =	seq.s32 @!p0 s4, s8  }
0xf6: {  	p2 =	por !p2, p0  }
0xf7: {  	s5 =	simm.s32 @p2 $0xFFFFFFFF  }
0xf8: {  	s5 =	smov.u32 @p0 s7  }
.LBB2_19:
0xf9: {  	p0 =	sne.s32 s5, $0xFFFFFFFF  }
.Ltmp15:
0xfa: {  	_ = 	snop;
	(pc) =	sbr.rel @!p0 .LBB2_20-.Ltmp15, $1  }
0xfb: {  	_ =	sdelay $0x3  }
0xfc: {  	v0 =	vld.msk [tilespmem:s3+$0xE0], $0x1  }
0xfd: {  	v1 =	vld.msk [tilespmem:s5+$0xE0], $0x1;
	_ =	sdelay $0x2  }
.Ltmp16:
0xfe: {  	_ = 	snop;
	(pc) =	sbr.rel .LBB2_22-.Ltmp16, $4  }
0xff: {  	_ = 	snop  }
0x100: {  	vm0 =	vgt.s32 v1, v0  }
0x101: {  	v0 =	vsel vm0, v1, v0  }
0x102: {  	[tilespmem:s5+$0xE0] =	vst.msk $0x1, v0  }
.LBB2_23:
0x103: {  	p0 =	slt.s32 s2, $0x1  }
.Ltmp17:
0x104: {  	_ = 	snop;
	(pc) =	sbr.rel @p0 .LBB2_27-.Ltmp17, $3  }
0x105: {  	_ =	sdelay $0x1  }
0x106: {  	s0 =	simm.s32 $0x6  }
0x107: {  	[sflag:s0] =	ssyncpa.u1 $0x1;
	s0 =	simm.s32 $0x0  }
0x108: {  	s3 =	simm.s32 $0xC0  }
0x109: {  	v0 =	vld.msk [tilespmem:s3+$0x0], $0x1;
	_ =	sdelay $0x4  }
0x10a: {  	(v2sf) =	vpush v0, $0x0;
	_ =	sdelay $0xe  }
0x10b: {  	s2 =	sadd.s32 $0xFFFFFFFF, s2;
	s4 =	spop (v2sf)  }
0x10c: {  	p1 =	sne.s32 s2, $0x0;
	p0 =	sgt.u32 s4, $0xF43FF  }
.Ltmp18:
0x10d: {  	s5 =	sshrl.u32 @!p0 s4, $0x3;
	(pc) =	sbr.rel @!p1 .LBB2_26-.Ltmp18, $4  }
0x10e: {  	s3 =	simm.s32 $0xE0;
	s4 =	sand.u32 @!p0 $0x7, s4;
	s5 =	sadd.s32 @!p0 s1, s5  }
0x10f: {  	[hbm4b:s5+s4] =	stream.linear.scatter @!p0 [tilespmem:s3], [sflag:$0x5], $0x1, $0x38;
	[tilespmem:$0x2520] =	vst v63  }
0x110: {  	s5 =	simm.s32 $0x0  }
0x111: {  	s4 =	simm.s32 $0xC1;
	s5 =	simm.s32 @!p0 $0x4  }
.LBB2_25:
0x112: {  	v0 =	vld.msk [tilespmem:s4+$0x0], $0x1;
	s2 =	sadd.s32 $0xFFFFFFFF, s2;
	s0 =	sadd.s32 s0, s5  }
0x113: {  	p0 =	sne.s32 s2, $0x0;
	_ =	sdelay $0x3  }
0x114: {  	(v2sf) =	vpush v0, $0x0;
	_ =	sdelay $0xe  }
.Ltmp19:
0x115: {  	s6 =	spop (v2sf);
	(pc) =	sbr.rel @p0 .LBB2_25-.Ltmp19, $4  }
0x116: {  	s5 =	simm.s32 $0x0;
	p1 =	sgt.u32 s6, $0xF43FF  }
0x117: {  	s3 =	sadd.s32 $0x1, s3;
	s5 =	simm.s32 @!p1 $0x4;
	s7 =	sshrl.u32 @!p1 s6, $0x3  }
0x118: {  	s4 =	sadd.s32 $0x1, s4;
	s6 =	sand.u32 @!p1 $0x7, s6;
	s7 =	sadd.s32 @!p1 s1, s7  }
0x119: {  	[hbm4b:s7+s6] =	stream.linear.scatter @!p1 [tilespmem:s3], [sflag:$0x5], $0x1, $0x38;
	[tilespmem:$0x2520] =	vst v63  }
.LBB2_26:
0x11a: {  	s0 =	sadd.s32 s0, s5  }
0x11b: {  	s0 =	sshrl.u32 s0, $0x2  }
.LBB2_27:
0x11c: {  	s1 =	simm.s32 $0x5  }
0x11d: {  	_ =	swait.ge [sflag:s1], s0  }
0x11e: {  	s28 =	ssub.s32 $0x0, s0;
	[sflag:s1] =	ssyncset.done $0x0  }
0x11f: {  	[sflag:s1] =	ssyncadd.s32 s28  }
0x120: {  	[sflag:s1] =	ssyncpa.u1 $0x1  }
0x121: {  	s29 =	simm.s32 $0x1;
	_ =	sfence  }
0x122: {  	s30 =	simm.s32 $0x2;
	[sflag:s29] =	ssyncpa.u1 $0x1  }
0x123: {  	[sflag:s30] =	ssyncpa.u1 $0x1  }
0x124: {  	_ =	strace $0x90000047  }
0x125: {  	[bflag:$0x2] =	sbarrier.arrive $0xFFFF  }
0x126: {  	s31 =	rddreg [dreg:$0x2]  }
0x127: {  	s0 =	sadd.s32 $0x100000, s31  }
0x128: {  	[sflag:s0] =	ssyncadd.tile.s32 $0x1;
	_ =	shalt  }
.Lfunc_end2:
_tile_overlayer_lowered:
.L_overlay_start_2:
0x129: {  	(tag) =	ssettag $0x2  }
0x12a: {  	s0 =	rddreg [dreg:$0x0];
	s2 =	stileid.u32  }
0x12b: {  	s1 =	rddreg [dreg:$0x1];
	p0 =	sne.s32 s2, $0x0  }
0x12c: {  	s3 =	rddreg [dreg:$0x2];
	[bflag:$0x3] =	sbarrier.arrive $0xFFFF;
	s2 =	simm.s32 @!p0 $0x1C01  }
0x12d: {  	[timem:s3], [sflag:s2] =	dma.local @!p0 [hbm:s0], s1  }
0x12e: {  	s0 =	simm.s32 @!p0 $0x1  }
0x12f: {  	_ =	swait.ge @!p0 [sflag:s0], s1  }
0x130: {  	s1 =	ssub.s32 @!p0 $0x0, s1;
	[sflag:s0] =	ssyncset.done @!p0 $0x0  }
0x131: {  	[sflag:s0] =	ssyncadd.s32 @!p0 s1  }
0x132: {  	[bflag:$0x3] =	sbarrier.arrive $0xFFFF  }
0x133: {  	_ =	shalt  }

// kernel: sparse-core-data-format-call.cloned.1.call-start
scs
called_computation.1_lowered:
.L_overlay_start_0:
0x0: {  	s2 =	sld [smem:$0x3FD9]  }
0x1: {  	s3 =	sld [smem:$0x3FFE];
	_ =	sdelay $0x1  }
0x2: {  	s1 =	srdreg.scid  }
0x3: {  	s0 =	sand.u32 $0x1, s1  }
0x4: {  	s15 =	sshll.u32 s0, $0xA;
	s2 =	sadd.s32 s3, s2  }
0x5: {  	s2 =	sadd.s32 s2, s15  }
0x6: {  	[smem:$0x3FC6] =	sst s2  }
0x7: {  	_ = 	snop  }
0x8: {  	s2 =	sld [smem:$0x3FD0];
	_ =	sdelay $0x2  }
0x9: {  	s16 =	simm.s32 $0xA;
	s4 =	simm.s32 $0x10  }
0xa: {  	[smem:s4], [sflag:s16] =	dma.local [hbm:s2], $0x1  }
0xb: {  	_ =	swait.eq [sflag:s16], $0x1  }
0xc: {  	[sflag:s16] =	ssyncset.done $0x0  }
0xd: {  	[sflag:s16] =	ssyncadd.s32 $0xFFFFFFFF  }
0xe: {  	s17 =	sld [smem:$0x11];
	(tm) =	ssettm $0x1  }
0xf: {  	s18 =	sld [smem:$0x3FFB];
	_ =	sdelay $0x3  }
0x10: {  	_ =	strace s18  }
0x11: {  	s3 =	sld [smem:$0x3FFC];
	_ =	sdelay $0x3  }
0x12: {  	_ =	strace s3  }
0x13: {  	s3 =	sld [smem:$0x3FFD];
	_ =	sdelay $0x3  }
0x14: {  	_ =	strace s3  }
0x15: {  	_ =	strace $0x8FFFFFFF  }
0x16: {  	s19 =	sld [smem:$0x3FDB];
	_ =	sdelay $0x1  }
0x17: {  	s20 =	simm.s32 $_scs_section_size  }
0x18: {  	s5 =	simm.s32 $_size__tile_overlayer_lowered;
	s6 =	simm.s32 $_tile_overlayer_lowered  }
0x19: {  	s23 =	simm.s32 $0x1BFF;
	s22 =	sshll.u32 s6, $0x1;
	s3 =	sadd.s32 s20, s19  }
0x1a: {  	s7 =	simm.s32 $0x0;
	s21 =	sshll.u32 s5, $0x1;
	s5 =	sadd.s32 s22, s3  }
0x1b: {  	[timem:s7], [sflag:s23] =	dma.local [hbm:s5], s21  }
0x1c: {  	_ =	swait.ge [sflag:s23], s21  }
0x1d: {  	s4 =	ssub.s32 $0x0, s21;
	[sflag:s23] =	ssyncset.done $0x0  }
0x1e: {  	[sflag:s23] =	ssyncadd.s32 s4;
	_ =	sdelay $0x1  }
0x1f: {  	s24 =	simm.s32 $0x1B8B  }
0x20: {  	_ =	swait.ge [sflag:s24], $0x1  }
0x21: {  	[sflag:s24] =	ssyncset.done $0x0  }
0x22: {  	s26 =	simm.s32 $0x1B8E;
	s25 =	sld [smem:$0x3FFE];
	[sflag:s24] =	ssyncadd.s32 $0xFFFFFFFF  }
0x23: {  	s27 =	simm.s32 $execute0_lowered;
	[smem:$0x3FD2] =	sst s26  }
0x24: {  	s5 =	sshll.u32 s27, $0x1;
	_ =	strace $0x8000004F;
	[dreg:$0x1] =	wrdreg $0xFFFFFFFF  }
0x25: {  	s28 =	simm.s32 $_size_execute0_lowered;
	s3 =	sadd.s32 s3, s5;
	[dreg:$0x0] =	wrdreg $0x0  }
0x26: {  	s5 =	sshll.u32 s28, $0x1;
	[dreg:$0x2] =	wrdreg s3  }
0x27: {  	[dreg:$0x3] =	wrdreg s5  }
0x28: {  	[dreg:$0x4] =	wrdreg $0xC0  }
0x29: {  	_ =	task [dreg:s7], $0x5FFFF  }
0x2a: {  	[dreg:$0x1] =	wrdreg $0xFFFFFFFF  }
0x2b: {  	[dreg:$0x0] =	wrdreg $0x60  }
0x2c: {  	[dreg:$0x2] =	wrdreg s25  }
0x2d: {  	[dreg:$0x3] =	wrdreg s17  }
0x2e: {  	[dreg:$0x4] =	wrdreg $0x9  }
0x2f: {  	_ =	task.clear_ibuf [dreg:s7], $0x5FFFF;
	_ =	strace $0x9000004F  }
0x30: {  	s29 =	simm.s32 $0x9;
	_ =	strace $0x80000051  }
0x31: {  	_ =	swait.ge [sflag:s29], $0x1  }
0x32: {  	[sflag:s29] =	ssyncadd.s32 $0xFFFFFFFF  }
0x33: {  	_ =	strace $0x90000051  }
0x34: {  	_ =	sfence  }
0x35: {  	s30 =	sld [smem:$0x0];
	_ =	sdelay $0x2  }
0x36: {  	s31 =	sshll.u32 s1, $0xD;
	s1 =	sshrl.u32 s1, $0x2  }
0x37: {  	s3 =	sand.u32 $0x4000, s31;
	s1 =	sadd.s32 s1, s30  }
0x38: {  	s0 =	sor.u32 s3, s0;
	s1 =	sshll.u32 s1, $0x11  }
0x39: {  	s0 =	sor.u32 s1, s0  }
0x3a: {  	s0 =	sadd.s32 $0x8F2B, s0  }
0x3b: {  	[sflag:s0] =	ssyncadd.remote.s32 $0x1  }
0x3c: {  	_ =	sfence.sel $0xFFFF  }
0x3d: {  	[dreg:$0x0] =	wrdreg $0xFFFFFFFF;
	(pc) =	sbr.abs _section_cstart, $3  }
0x3e: {  	[dreg:$0x1] =	wrdreg $0xFFFFFFFF  }
0x3f: {  	_ =	task.clear_ibuf [dreg:s7], $0x2FFFF;
	_ =	strace $0x9FFFFFFF  }
0x40: {  	(tm) =	ssettm $0x7FFFFFFF  }
0x41: {  	_ =	shalt  }
tec
execute0_lowered:
.L_overlay_start_1:
0x0: {  	(tag) =	ssettag $0x1  }
0x1: {  	s4 =	rddreg [dreg:$0x0]  }
0x2: {  	s0 =	srdreg.scid;
	s2 =	rddreg [dreg:$0x1]  }
0x3: {  	s1 =	stileid.u32;
	s5 =	simm.s32 $0x1;
	s0 =	sshll.u32 s0, $0x4  }
0x4: {  	s7 =	simm.s32 $0x2;
	s11 =	simm.s32 $0x0;
	s3 =	sand.u32 $0x10, s0  }
.Ltmp0:
0x5: {  	p0 =	por $0x0, $0x0;
	s3 =	sor.u32 s1, s3;
	(pc) =	sbr.rel .LBB1_1-.Ltmp0, $4  }
0x6: {  	s8 =	simm.s32 $0x7A1400;
	s10 =	simm.s32 $0x0;
	s3 =	sshll.u32 s3, $0x7  }
0x7: {  	s0 =	rddreg [dreg:$0x2];
	_ =	strace $0x80000050;
	s6 =	ssub.s32 $0xF4200, s3  }
0x8: {  	s4 =	sadd.s32 $0x21C00, s4;
	[sflag:s5] =	ssyncpa.u1 $0x0;
	s6 =	sshrl.u32 s6, $0xC  }
0x9: {  	[sflag:s7] =	ssyncpa.u1 $0x0;
	s9 =	smov.u32 s3;
	s7 =	sadd.s32 $0x2, s6  }
.LBB1_5:
0xa: {  	s13 =	sadd.s32 $0x1000, s9  }
0xb: {  	p2 =	sgt.s32 s13, $0xF423F  }
0xc: {  	s13 =	smov.u32 @p2 s3;
	p2 =	sne.s32 s10, s7  }
.Ltmp1:
0xd: {  	p1 =	slt.u32 s10, $0x2;
	(pc) =	sbr.rel @!p2 .LBB1_6-.Ltmp1, $4  }
0xe: {  	s12 =	simm.s32 @!p1 $0x2  }
0xf: {  	s14 =	sadd.s32 $0x1, s10;
	_ =	swait.ge @!p1 [sflag:s12], $0x2000  }
0x10: {  	s11 =	smov.u32 s9;
	p0 =	por !p0, !p0;
	[sflag:s12] =	ssyncset.done @!p1 $0x0  }
0x11: {  	s10 =	smov.u32 s14;
	s9 =	smov.u32 s13;
	[sflag:s12] =	ssyncadd.s32 @!p1 $0xFFFFE000  }
.LBB1_1:
0x12: {  	p1 =	sgt.u32 s10, s6  }
0x13: {  	s13 =	smov.u32 s9;
	p2 =	sgt.s32 @!p1 s9, $0xF41C0  }
0x14: {  	s12 =	sand.u32 @!p1 $0x1FFFFFF, s9;
	s14 =	sshra.s32 @!p1 s9, $0x1F;
	p2 =	por !p2, p1  }
0x15: {  	s15 =	smulhi.u32 @!p1 $0x218DEF5, s12;
	s14 =	sand.u32 @!p1 s14, s9;
	s13 =	simm.s32 @p2 $0xF41C0  }
0x16: {  	s13 =	ssub.s32 @!p1 s13, s14  }
0x17: {  	s14 =	sshrl.u32 @!p1 s15, $0xD;
	s13 =	sadd.s32 @!p1 $0xFFF0BE40, s13  }
0x18: {  	s15 =	sxor.u32 @!p1 $0xFFFFFFFF, s10;
	s14 =	smul.u32 @!p1 $0xF4240, s14;
	s16 =	sshll.u32 @!p1 s13, $0x8  }
0x19: {  	s15 =	sshll.u32 @!p1 s15, $0xD;
	p2 =	sgt.s32 @!p1 s13, $0x7F;
	s13 =	ssub.s32 @!p1 $0x8000, s16  }
0x1a: {  	s12 =	ssub.s32 @!p1 s12, s14;
	p2 =	por !p2, p1;
	s14 =	sand.u32 @!p1 $0x2000, s15  }
0x1b: {  	s15 =	simm.s32 @!p1 $0x40;
	s13 =	sshrl.u32 @!p1 s13, $0x2;
	s12 =	sshll.u32 @!p1 s12, $0x4  }
0x1c: {  	s16 =	simm.s32 @!p1 $0x80;
	s13 =	simm.s32 @!p2 $0x0;
	s12 =	sadd.s32 @!p1 s4, s12  }
0x1d: {  	[tilespmem:s14], [sflag:$0x1] =	stream.strided.gather @!p1 [hbm4b:s12+s15], s13, s16, s15, $0x38;
	[tilespmem:$0x8080] =	vst v63  }
0x1e: {  	p1 =	seq.s32 s10, $0x0  }
0x1f: {  	p2 =	sge.u32 @!p1 s10, s7  }
0x20: {  	p1 =	por p1, p2  }
.Ltmp2:
0x21: {  	_ = 	snop;
	(pc) =	sbr.rel @p1 .LBB1_5-.Ltmp2, $1  }
0x22: {  	_ =	sdelay $0x3  }
0x23: {  	p1 =	sgt.s32 s11, $0xF41C0;
	s12 =	smov.u32 s11;
	s13 =	sshra.s32 s11, $0x1F  }
0x24: {  	s12 =	simm.s32 @!p1 $0xF41C0;
	s13 =	sand.u32 s13, s11  }
0x25: {  	s12 =	ssub.s32 s12, s13  }
0x26: {  	s12 =	sadd.s32 $0xFFF0BE40, s12  }
0x27: {  	s28 =	sshll.u32 s12, $0x8  }
0x28: {  	s13 =	ssub.s32 $0x8000, s28  }
0x29: {  	p1 =	sgt.s32 s12, $0x7F;
	s12 =	sshrl.u32 s13, $0x2  }
0x2a: {  	s13 =	simm.s32 $0x1;
	s12 =	simm.s32 @p1 $0x0  }
0x2b: {  	s13 =	simm.s32 @!p0 $0x0;
	_ =	swait.ge [sflag:s5], s12  }
0x2c: {  	s14 =	sshll.u32 s13, $0xD;
	s12 =	ssub.s32 $0x0, s12;
	[sflag:s5] =	ssyncset.done $0x0  }
0x2d: {  	s16 =	sor.u32 $0x20, s14;
	[sflag:s5] =	ssyncadd.s32 s12  }
0x2e: {  	s29 =	smul.u32 $0x8100, s13;
	v3 =	vld [tilespmem:s16+$0x10]  }
0x2f: {  	s30 =	sand.u32 $0x1, s10;
	v2 =	vld [tilespmem:s16+$0xFFFFFFF0]  }
0x30: {  	s13 =	smul.u32 $0x8100, s30;
	s12 =	sshrl.u32 s29, $0x2;
	v0 =	vld [tilespmem:s16+$0x0]  }
0x31: {  	s14 =	sor.u32 $0x4000, s12;
	v1 =	vld [tilespmem:s16+$0xFFFFFFE0]  }
0x32: {  	s31 =	sshrl.u32 s13, $0x2;
	s13 =	sadd.s32 $0x0, s14  }
0x33: {  	s15 =	simm.s32 $0x4;
	s12 =	sor.u32 $0x4000, s31;
	s16 =	sadd.s32 $0x40, s16;
	[tilespmem:s13+$0x1830 ss:$0x81] =	vst.msk $0xffff, v3  }
.LBB1_3:
0x34: {  	v3 =	vld [tilespmem:s16+$0x10];
	p1 =	sne.s32 s15, $0x1FC;
	[tilespmem:s13+$0x810 ss:$0x81] =	vst.msk $0xffff, v2;
	s17 =	smov.u32 s15;
	s15 =	sadd.s32 $0x4, s15  }
.Ltmp3:
0x35: {  	v2 =	vld [tilespmem:s16+$0xFFFFFFF0];
	[tilespmem:s13+$0x1020 ss:$0x81] =	vst.msk $0xffff, v0;
	(pc) =	sbr.rel @p1 .LBB1_3-.Ltmp3, $4  }
0x36: {  	v0 =	vld [tilespmem:s16+$0x0];
	[tilespmem:s13+$0x0 ss:$0x81] =	vst.msk $0xffff, v1  }
0x37: {  	s13 =	sshra.s32 s17, $0x2;
	v1 =	vld [tilespmem:s16+$0xFFFFFFE0]  }
0x38: {  	s13 =	sadd.s32 s13, s14  }
0x39: {  	s16 =	sadd.s32 $0x40, s16;
	[tilespmem:s13+$0x1830 ss:$0x81] =	vst.msk $0xffff, v3  }
0x3a: {  	s14 =	sshll.u32 s11, $0x3  }
0x3b: {  	s30 =	sand.u32 $0x7F, s11;
	s14 =	sand.u32 $0xFFFFFC00, s14  }
0x3c: {  	s11 =	sor.u32 s30, s14  }
0x3d: {  	s15 =	smulhi.u32 $0x218D6287, s11;
	_ =	sdelay $0x1  }
0x3e: {  	s14 =	smulhi.u32 $0x218D6287, s14;
	s15 =	sshrl.u32 s15, $0x11  }
0x3f: {  	s15 =	smul.u32 $0xF4280, s15  }
0x40: {  	s14 =	sshrl.u32 s14, $0x11  }
.Ltmp4:
0x41: {  	s14 =	sand.u32 $0x3F, s14;
	s11 =	ssub.s32 s11, s15;
	(pc) =	sbr.rel .LBB1_5-.Ltmp4, $4  }
0x42: {  	[tilespmem:s13+$0x810 ss:$0x81] =	vst.msk $0xffff, v2;
	s14 =	smul.u32 $0x1E850, s14;
	s15 =	sshrl.u32 s11, $0x3;
	s11 =	sand.u32 $0x7, s11  }
0x43: {  	[tilespmem:s13+$0x1020 ss:$0x81] =	vst.msk $0xffff, v0;
	s15 =	sadd.s32 s2, s15;
	s11 =	sshll.u32 s11, $0x12  }
0x44: {  	[tilespmem:s13+$0x0 ss:$0x81] =	vst.msk $0xffff, v1;
	s31 =	sadd.s32 s14, s15;
	s11 =	sor.u32 $0x400, s11  }
0x45: {  	[hbm4b:s31+s11] =	stream.strided.scatter [tilespmem:s12], [sflag:$0x2], $0x2000, s8, s11, $0x20;
	[tilespmem:$0x8080] =	vst v63  }
.LBB1_6:
0x46: {  	_ =	sfence.sel $0x180000  }
0x47: {  	s2 =	simm.s32 $0x1;
	[bflag:$0x0] =	sbarrier.arrive $0xFFFF  }
0x48: {  	s31 =	simm.s32 $0x2;
	[sflag:s2] =	ssyncpa.u1 $0x1  }
0x49: {  	[sflag:s31] =	ssyncpa.u1 $0x1  }
0x4a: {  	p0 =	sne.s32 s1, $0x0;
	_ =	strace $0x90000050  }
0x4b: {  	s0 =	sadd.s32 @!p0 $0x100000, s0;
	[bflag:$0x2] =	sbarrier.arrive $0xFFFF  }
0x4c: {  	[sflag:s0] =	ssyncadd.tile.s32 @!p0 $0x1;
	_ =	shalt  }
.Lfunc_end1:
_tile_overlayer_lowered:
.L_overlay_start_2:
0x4d: {  	(tag) =	ssettag $0x2  }
0x4e: {  	s0 =	rddreg [dreg:$0x0];
	s2 =	stileid.u32  }
0x4f: {  	s1 =	rddreg [dreg:$0x1];
	p0 =	sne.s32 s2, $0x0  }
0x50: {  	s3 =	rddreg [dreg:$0x2];
	[bflag:$0x3] =	sbarrier.arrive $0xFFFF;
	s2 =	simm.s32 @!p0 $0x1C01  }
0x51: {  	[timem:s3], [sflag:s2] =	dma.local @!p0 [hbm:s0], s1  }
0x52: {  	s0 =	simm.s32 @!p0 $0x1  }
0x53: {  	_ =	swait.ge @!p0 [sflag:s0], s1  }
0x54: {  	s1 =	ssub.s32 @!p0 $0x0, s1;
	[sflag:s0] =	ssyncset.done @!p0 $0x0  }
0x55: {  	[sflag:s0] =	ssyncadd.s32 @!p0 s1  }
0x56: {  	[bflag:$0x3] =	sbarrier.arrive $0xFFFF  }
0x57: {  	_ =	shalt  }

</sc_bundles>
